<compile_context>
chip_gen: v7x
topology: tpu7x:2x2x1
jax: 0.10.2.dev20260603
libtpu: 0.0.44.dev20260713+nightly
codegen_flags: <defaults>
</compile_context>

<pallas_src>
import functools

import jax
import jax.numpy as jnp
from jax import lax
from jax.experimental import pallas as pl
from jax.experimental.pallas import tpu as pltpu
from jax.experimental.pallas import tpu_sc as plsc

N = 10000
E = 320000
D = 128

NC = 2
NS = 16
NW = NC * NS
CH = 128
NCHG = E // CH
NCH = NCHG // NW
NEXTRA = NCHG - NCH * NW
RING = 3

RPT = 632
RPT_LAST = N - (NS - 1) * RPT

_mesh = plsc.VectorSubcoreMesh(core_axis_name="c", subcore_axis_name="s")


@functools.partial(
    pl.kernel,
    out_type=jax.ShapeDtypeStruct((NC, N), jnp.float32),
    mesh=_mesh,
    scratch_types=[
        pltpu.VMEM((NCH + 1, CH), jnp.int32),
        pltpu.VMEM((CH,), jnp.float32),
        pltpu.VMEM_SHARED((N,), jnp.float32),
        pltpu.SemaphoreType.DMA,
        pltpu.SemaphoreType.DMA,
    ],
)
def _deg_kernel(ei_hbm, zeros1_hbm, out_hbm, idx_v, ones_v, deg_sh,
                seml, sems):
    cid = lax.axis_index("c")
    sid = lax.axis_index("s")
    wid = sid * NC + cid
    c0 = wid * NCH

    @pl.when(sid == 0)
    def _():
        pltpu.sync_copy(zeros1_hbm, deg_sh)

    def fire_load(j, _):
        pltpu.async_copy(ei_hbm.at[1, pl.ds((c0 + j) * CH, CH)],
                         idx_v.at[j], seml)
        return 0

    lax.fori_loop(0, NCH, fire_load, 0)

    @pl.when(wid < NEXTRA)
    def _():
        pltpu.async_copy(ei_hbm.at[1, pl.ds((NCH * NW + wid) * CH, CH)],
                         idx_v.at[NCH], seml)

    for i in range(CH // 16):
        ones_v[pl.ds(i * 16, 16)] = jnp.ones((16,), jnp.float32)

    def drain_load(j, _):
        pltpu.make_async_copy(ei_hbm.at[1, pl.ds((c0 + j) * CH, CH)],
                              idx_v.at[j], seml).wait()
        return 0

    lax.fori_loop(0, NCH, drain_load, 0)

    @pl.when(wid < NEXTRA)
    def _():
        pltpu.make_async_copy(ei_hbm.at[1, pl.ds((NCH * NW + wid) * CH, CH)],
                              idx_v.at[NCH], seml).wait()

    plsc.subcore_barrier()

    def fire_scatter(j, _):
        pltpu.async_copy(ones_v, deg_sh.at[idx_v.at[j]], sems, add=True)
        return 0

    lax.fori_loop(0, NCH, fire_scatter, 0)

    @pl.when(wid < NEXTRA)
    def _():
        pltpu.async_copy(ones_v, deg_sh.at[idx_v.at[NCH]], sems, add=True)

    def drain_scatter(j, _):
        pltpu.make_async_copy(ones_v, deg_sh.at[idx_v.at[j]], sems).wait()
        return 0

    lax.fori_loop(0, NCH, drain_scatter, 0)

    @pl.when(wid < NEXTRA)
    def _():
        pltpu.make_async_copy(ones_v, deg_sh.at[idx_v.at[NCH]], sems).wait()

    plsc.subcore_barrier()

    @pl.when(sid == 0)
    def _():
        pltpu.sync_copy(deg_sh, out_hbm.at[cid])


@functools.partial(
    pl.kernel,
    out_type=jax.ShapeDtypeStruct((NC, N, D), jnp.float32),
    mesh=_mesh,
    scratch_types=[
        pltpu.VMEM((CH,), jnp.int32),
        pltpu.VMEM((CH,), jnp.int32),
        pltpu.VMEM((CH,), jnp.int32),
        pltpu.VMEM((CH,), jnp.int32),
        pltpu.VMEM((CH,), jnp.int32),
        pltpu.VMEM((CH,), jnp.int32),
        pltpu.VMEM((CH, D), jnp.float32),
        pltpu.VMEM((CH, D), jnp.float32),
        pltpu.VMEM((CH, D), jnp.float32),
        pltpu.VMEM_SHARED((N, D), jnp.float32),
        pltpu.SemaphoreType.DMA,
        pltpu.SemaphoreType.DMA,
        pltpu.SemaphoreType.DMA,
        pltpu.SemaphoreType.DMA,
        pltpu.SemaphoreType.DMA,
        pltpu.SemaphoreType.DMA,
    ],
)
def _agg_kernel(ei_hbm, y_hbm, out_hbm,
                sb0, sb1, sb2, db0, db1, db2,
                rows0_v, rows1_v, rows2_v, acc_sh,
                semg0, semg1, semg2, semi0, semi1, semi2):
    cid = lax.axis_index("c")
    sid = lax.axis_index("s")
    wid = sid * NC + cid
    r0 = sid * RPT
    c0 = wid * NCH
    sb = [sb0, sb1, sb2]
    db = [db0, db1, db2]
    rows = [rows0_v, rows1_v, rows2_v]
    semg = [semg0, semg1, semg2]
    semi = [semi0, semi1, semi2]

    def load_idx(c, b):
        pltpu.async_copy(ei_hbm.at[0, pl.ds(c * CH, CH)], sb[b], semi[b])
        pltpu.async_copy(ei_hbm.at[1, pl.ds(c * CH, CH)], db[b], semi[b])

    def wait_idx(c, b):
        pltpu.make_async_copy(ei_hbm.at[0, pl.ds(c * CH, CH)], sb[b],
                              semi[b]).wait()
        pltpu.make_async_copy(ei_hbm.at[1, pl.ds(c * CH, CH)], db[b],
                              semi[b]).wait()

    for b in range(RING):
        load_idx(c0 + b, b)

    def zrow(r, _):
        for c in range(D // 16):
            rows0_v[r, pl.ds(c * 16, 16)] = jnp.zeros((16,), jnp.float32)
        return 0

    lax.fori_loop(0, CH, zrow, 0)
    for k in range(4):
        pltpu.sync_copy(rows0_v, acc_sh.at[pl.ds(r0 + k * CH, CH)])

    @pl.when(sid < NS - 1)
    def _():
        pltpu.sync_copy(rows0_v.at[pl.ds(0, RPT - 4 * CH)],
                        acc_sh.at[pl.ds(r0 + 4 * CH, RPT - 4 * CH)])

    @pl.when(sid == NS - 1)
    def _():
        pltpu.sync_copy(rows0_v.at[pl.ds(0, RPT_LAST - 4 * CH)],
                        acc_sh.at[pl.ds(r0 + 4 * CH, RPT_LAST - 4 * CH)])

    plsc.subcore_barrier()

    for b in range(2):
        wait_idx(c0 + b, b)
        pltpu.async_copy(y_hbm.at[sb[b]], rows[b], semg[b])

    def outer(g, _):
        for b in range(RING):
            j = g * RING + b
            nb = (b + 2) % RING

            @pl.when(j + 2 < NCH)
            def _(j=j, nb=nb):
                wait_idx(c0 + j + 2, nb)
                pltpu.async_copy(y_hbm.at[sb[nb]], rows[nb], semg[nb])

            pltpu.make_async_copy(y_hbm.at[sb[b]], rows[b], semg[b]).wait()
            pltpu.sync_copy(rows[b], acc_sh.at[db[b]], add=True)

            @pl.when(j + 3 < NCH)
            def _(j=j, b=b):
                load_idx(c0 + j + 3, b)
        return 0

    lax.fori_loop(0, NCH // RING, outer, 0)

    @pl.when(wid < NEXTRA)
    def _():
        ce = NCH * NW + wid
        load_idx(ce, 0)
        wait_idx(ce, 0)
        pltpu.async_copy(y_hbm.at[sb[0]], rows[0], semg[0])
        pltpu.make_async_copy(y_hbm.at[sb[0]], rows[0], semg[0]).wait()
        pltpu.sync_copy(rows[0], acc_sh.at[db[0]], add=True)

    plsc.subcore_barrier()

    @pl.when(sid < NS - 1)
    def _():
        pltpu.sync_copy(acc_sh.at[pl.ds(r0, RPT)],
                        out_hbm.at[cid, pl.ds(r0, RPT)])

    @pl.when(sid == NS - 1)
    def _():
        pltpu.sync_copy(acc_sh.at[pl.ds(r0, RPT_LAST)],
                        out_hbm.at[cid, pl.ds(r0, RPT_LAST)])


BR = 2000


def _y_body(deg_ref, x_ref, w_ref, y_ref):
    d = deg_ref[0, :, 0] + deg_ref[1, :, 0] + 1.0
    dinv = lax.rsqrt(d)
    y_ref[...] = jnp.dot(x_ref[...] * dinv[:, None], w_ref[...],
                         preferred_element_type=jnp.float32)


_y_call = pl.pallas_call(
    _y_body,
    grid=(N // BR,),
    in_specs=[
        pl.BlockSpec((NC, BR, 1), lambda i: (0, i, 0)),
        pl.BlockSpec((BR, D), lambda i: (i, 0)),
        pl.BlockSpec((D, D), lambda i: (0, 0)),
    ],
    out_specs=pl.BlockSpec((BR, D), lambda i: (i, 0)),
    out_shape=jax.ShapeDtypeStruct((N, D), jnp.float32),
)


def _out_body(deg_ref, acc_ref, y_ref, b_ref, o_ref):
    d = deg_ref[0, :, 0] + deg_ref[1, :, 0] + 1.0
    dinv = lax.rsqrt(d)
    o_ref[...] = ((acc_ref[0] + acc_ref[1] + y_ref[...]) * dinv[:, None]
                  + b_ref[...])


_out_call = pl.pallas_call(
    _out_body,
    grid=(N // BR,),
    in_specs=[
        pl.BlockSpec((NC, BR, 1), lambda i: (0, i, 0)),
        pl.BlockSpec((NC, BR, D), lambda i: (0, i, 0)),
        pl.BlockSpec((BR, D), lambda i: (i, 0)),
        pl.BlockSpec((1, D), lambda i: (0, 0)),
    ],
    out_specs=pl.BlockSpec((BR, D), lambda i: (i, 0)),
    out_shape=jax.ShapeDtypeStruct((N, D), jnp.float32),
)


def kernel(x, edge_index, W, b):
    ei = edge_index.astype(jnp.int32)
    zeros1 = jnp.zeros((N,), jnp.float32)

    degp = _deg_kernel(ei, zeros1)
    degp3 = degp.reshape(NC, N, 1)
    y = _y_call(degp3, x, W)
    accp = _agg_kernel(ei, y)
    return _out_call(degp3, accp, y, b.reshape(1, D))

# --- scband reference (transcript-rebuilt; emitter-appended) ---
"""Pipeline reference for scband-gcnlayer-5394478924644 (READ-ONLY COPY).

The authoritative reference and input builder live on the scoring server;
editing this copy changes nothing except your own understanding.
"""

import jax, jax.numpy as jnp
import numpy as np

N = 10000
E = 320000
D = 128

def setup_inputs(seed: int = 0) -> dict:
    key = jax.random.key(seed)
    k1, k2, k3, k4 = jax.random.split(key, 4)
    x = jax.random.normal(k1, (N, D), dtype=jnp.float32)
    edge_index = jax.random.randint(k2, (2, E), 0, N).astype(jnp.int64)
    # Learned parameters of GCNConv(out_dim=128): dense weight + bias
    W = jax.random.normal(k3, (D, D), dtype=jnp.float32) * 0.05
    b = jnp.zeros((D,), dtype=jnp.float32)
    return {"x": x, "edge_index": edge_index, "W": W, "b": b}

def reference(x, edge_index, W, b):
    # Standard GCN convolution (tfgnn GCNConv semantics):
    # add self-loops, symmetric degree normalization D^-1/2 A D^-1/2 (X W) + b
    n = x.shape[0]
    loops = jnp.arange(n, dtype=edge_index.dtype)
    src = jnp.concatenate([edge_index[0], loops])
    dst = jnp.concatenate([edge_index[1], loops])
    ones = jnp.ones(src.shape[0], dtype=x.dtype)
    deg = jnp.zeros((n,), dtype=x.dtype).at[dst].add(ones)
    dinv = jax.lax.rsqrt(jnp.maximum(deg, 1.0))
    xw = x @ W
    coef = dinv[src] * dinv[dst]
    msg = jnp.take(xw, src, axis=0) * coef[:, None]
    agg = jax.ops.segment_sum(msg, dst, num_segments=n)
    return agg + b

if __name__ == "__main__":
    import jax
    _d = setup_inputs()
    print(jax.jit(kernel)(*tuple(_d.values())))

</pallas_src>

<mosaic_0001>
#map = affine_map<(d0, d1) -> (0, 0)>
#map1 = affine_map<(d0, d1) -> (0, 0, 0)>
module attributes {stable_mosaic.version = 14 : i64} {
  func.func @_agg_kernel(%arg0: i32, %arg1: i32, %arg2: memref<2x320000xi32, #tpu.memory_space<hbm>>, %arg3: memref<10000x128xf32, #tpu.memory_space<hbm>>, %arg4: memref<2x10000x128xf32, #tpu.memory_space<hbm>>, %arg5: memref<128xi32, #tpu.memory_space<vmem>>, %arg6: memref<128xi32, #tpu.memory_space<vmem>>, %arg7: memref<128xi32, #tpu.memory_space<vmem>>, %arg8: memref<128xi32, #tpu.memory_space<vmem>>, %arg9: memref<128xi32, #tpu.memory_space<vmem>>, %arg10: memref<128xi32, #tpu.memory_space<vmem>>, %arg11: memref<128x128xf32, #tpu.memory_space<vmem>>, %arg12: memref<128x128xf32, #tpu.memory_space<vmem>>, %arg13: memref<128x128xf32, #tpu.memory_space<vmem>>, %arg14: memref<10000x128xf32, #tpu.memory_space<vmem_shared>>, %arg15: memref<!tpu.dma_semaphore, #tpu.memory_space<semaphore_mem>>, %arg16: memref<!tpu.dma_semaphore, #tpu.memory_space<semaphore_mem>>, %arg17: memref<!tpu.dma_semaphore, #tpu.memory_space<semaphore_mem>>, %arg18: memref<!tpu.dma_semaphore, #tpu.memory_space<semaphore_mem>>, %arg19: memref<!tpu.dma_semaphore, #tpu.memory_space<semaphore_mem>>, %arg20: memref<!tpu.dma_semaphore, #tpu.memory_space<semaphore_mem>>) attributes {dimension_semantics = [#tpu.dimension_semantics<core_parallel>, #tpu.dimension_semantics<subcore_parallel>], iteration_bounds = array<i64: 2, 16>, scalar_prefetch = 0 : i64, scratch_operands = 16 : i64, tpu.core_type = #tpu.core_type<sc_vector_subcore>, window_params = [{transform_indices = #map}, {transform_indices = #map}, {transform_indices = #map1}]} {
    %mul3A = arith.constant 2 : i32
    %mul3A_0 = arith.muli %arg1, %mul3A : i32
    %add3A = arith.addi %mul3A_0, %arg0 : i32
    %mul3A_1 = arith.constant 632 : i32
    %mul3A_2 = arith.muli %arg1, %mul3A_1 : i32
    %mul3A_3 = arith.constant 78 : i32
    %mul3A_4 = arith.muli %add3A, %mul3A_3 : i32
    %add3A_5 = arith.constant 0 : i32
    %add3A_6 = arith.addi %mul3A_4, %add3A_5 : i32
    %mul3A_7 = arith.constant 128 : i32
    %mul3A_8 = arith.muli %add3A_6, %mul3A_7 : i32
    %dma_start3A = arith.constant 0 : i32
    %dma_start3A_9 = tpu.memref_slice %arg2[%dma_start3A, %mul3A_8] : memref<2x320000xi32, #tpu.memory_space<hbm>> -> memref<1x128xi32, #tpu.memory_space<hbm>>
    %dma_start3A_10 = tpu.memref_squeeze %dma_start3A_9 : memref<1x128xi32, #tpu.memory_space<hbm>> -> memref<128xi32, #tpu.memory_space<hbm>>
    %dma_start3A_11 = tpu.memref_slice %arg2[%dma_start3A, %mul3A_8] : memref<2x320000xi32, #tpu.memory_space<hbm>> -> memref<1x128xi32, #tpu.memory_space<hbm>>
    %dma_start3A_12 = tpu.memref_squeeze %dma_start3A_11 : memref<1x128xi32, #tpu.memory_space<hbm>> -> memref<128xi32, #tpu.memory_space<hbm>>
    tpu.enqueue_dma source(%dma_start3A_12 : memref<128xi32, #tpu.memory_space<hbm>>) target(%arg5 : memref<128xi32, #tpu.memory_space<vmem>>) target_semaphore(%arg18 : memref<!tpu.dma_semaphore, #tpu.memory_space<semaphore_mem>>)
    %mul3A_13 = arith.constant 128 : i32
    %mul3A_14 = arith.muli %add3A_6, %mul3A_13 : i32
    %dma_start3A_15 = arith.constant 1 : i32
    %dma_start3A_16 = tpu.memref_slice %arg2[%dma_start3A_15, %mul3A_14] : memref<2x320000xi32, #tpu.memory_space<hbm>> -> memref<1x128xi32, #tpu.memory_space<hbm>>
    %dma_start3A_17 = tpu.memref_squeeze %dma_start3A_16 : memref<1x128xi32, #tpu.memory_space<hbm>> -> memref<128xi32, #tpu.memory_space<hbm>>
    %dma_start3A_18 = tpu.memref_slice %arg2[%dma_start3A_15, %mul3A_14] : memref<2x320000xi32, #tpu.memory_space<hbm>> -> memref<1x128xi32, #tpu.memory_space<hbm>>
    %dma_start3A_19 = tpu.memref_squeeze %dma_start3A_18 : memref<1x128xi32, #tpu.memory_space<hbm>> -> memref<128xi32, #tpu.memory_space<hbm>>
    tpu.enqueue_dma source(%dma_start3A_19 : memref<128xi32, #tpu.memory_space<hbm>>) target(%arg8 : memref<128xi32, #tpu.memory_space<vmem>>) target_semaphore(%arg18 : memref<!tpu.dma_semaphore, #tpu.memory_space<semaphore_mem>>)
    %add3A_20 = arith.constant 1 : i32
    %add3A_21 = arith.addi %mul3A_4, %add3A_20 : i32
    %mul3A_22 = arith.constant 128 : i32
    %mul3A_23 = arith.muli %add3A_21, %mul3A_22 : i32
    %dma_start3A_24 = arith.constant 0 : i32
    %dma_start3A_25 = tpu.memref_slice %arg2[%dma_start3A_24, %mul3A_23] : memref<2x320000xi32, #tpu.memory_space<hbm>> -> memref<1x128xi32, #tpu.memory_space<hbm>>
    %dma_start3A_26 = tpu.memref_squeeze %dma_start3A_25 : memref<1x128xi32, #tpu.memory_space<hbm>> -> memref<128xi32, #tpu.memory_space<hbm>>
    %dma_start3A_27 = tpu.memref_slice %arg2[%dma_start3A_24, %mul3A_23] : memref<2x320000xi32, #tpu.memory_space<hbm>> -> memref<1x128xi32, #tpu.memory_space<hbm>>
    %dma_start3A_28 = tpu.memref_squeeze %dma_start3A_27 : memref<1x128xi32, #tpu.memory_space<hbm>> -> memref<128xi32, #tpu.memory_space<hbm>>
    tpu.enqueue_dma source(%dma_start3A_28 : memref<128xi32, #tpu.memory_space<hbm>>) target(%arg6 : memref<128xi32, #tpu.memory_space<vmem>>) target_semaphore(%arg19 : memref<!tpu.dma_semaphore, #tpu.memory_space<semaphore_mem>>)
    %mul3A_29 = arith.constant 128 : i32
    %mul3A_30 = arith.muli %add3A_21, %mul3A_29 : i32
    %dma_start3A_31 = arith.constant 1 : i32
    %dma_start3A_32 = tpu.memref_slice %arg2[%dma_start3A_31, %mul3A_30] : memref<2x320000xi32, #tpu.memory_space<hbm>> -> memref<1x128xi32, #tpu.memory_space<hbm>>
    %dma_start3A_33 = tpu.memref_squeeze %dma_start3A_32 : memref<1x128xi32, #tpu.memory_space<hbm>> -> memref<128xi32, #tpu.memory_space<hbm>>
    %dma_start3A_34 = tpu.memref_slice %arg2[%dma_start3A_31, %mul3A_30] : memref<2x320000xi32, #tpu.memory_space<hbm>> -> memref<1x128xi32, #tpu.memory_space<hbm>>
    %dma_start3A_35 = tpu.memref_squeeze %dma_start3A_34 : memref<1x128xi32, #tpu.memory_space<hbm>> -> memref<128xi32, #tpu.memory_space<hbm>>
    tpu.enqueue_dma source(%dma_start3A_35 : memref<128xi32, #tpu.memory_space<hbm>>) target(%arg9 : memref<128xi32, #tpu.memory_space<vmem>>) target_semaphore(%arg19 : memref<!tpu.dma_semaphore, #tpu.memory_space<semaphore_mem>>)
    %add3A_36 = arith.constant 2 : i32
    %add3A_37 = arith.addi %mul3A_4, %add3A_36 : i32
    %mul3A_38 = arith.constant 128 : i32
    %mul3A_39 = arith.muli %add3A_37, %mul3A_38 : i32
    %dma_start3A_40 = arith.constant 0 : i32
    %dma_start3A_41 = tpu.memref_slice %arg2[%dma_start3A_40, %mul3A_39] : memref<2x320000xi32, #tpu.memory_space<hbm>> -> memref<1x128xi32, #tpu.memory_space<hbm>>
    %dma_start3A_42 = tpu.memref_squeeze %dma_start3A_41 : memref<1x128xi32, #tpu.memory_space<hbm>> -> memref<128xi32, #tpu.memory_space<hbm>>
    %dma_start3A_43 = tpu.memref_slice %arg2[%dma_start3A_40, %mul3A_39] : memref<2x320000xi32, #tpu.memory_space<hbm>> -> memref<1x128xi32, #tpu.memory_space<hbm>>
    %dma_start3A_44 = tpu.memref_squeeze %dma_start3A_43 : memref<1x128xi32, #tpu.memory_space<hbm>> -> memref<128xi32, #tpu.memory_space<hbm>>
    tpu.enqueue_dma source(%dma_start3A_44 : memref<128xi32, #tpu.memory_space<hbm>>) target(%arg7 : memref<128xi32, #tpu.memory_space<vmem>>) target_semaphore(%arg20 : memref<!tpu.dma_semaphore, #tpu.memory_space<semaphore_mem>>)
    %mul3A_45 = arith.constant 128 : i32
    %mul3A_46 = arith.muli %add3A_37, %mul3A_45 : i32
    %dma_start3A_47 = arith.constant 1 : i32
    %dma_start3A_48 = tpu.memref_slice %arg2[%dma_start3A_47, %mul3A_46] : memref<2x320000xi32, #tpu.memory_space<hbm>> -> memref<1x128xi32, #tpu.memory_space<hbm>>
    %dma_start3A_49 = tpu.memref_squeeze %dma_start3A_48 : memref<1x128xi32, #tpu.memory_space<hbm>> -> memref<128xi32, #tpu.memory_space<hbm>>
    %dma_start3A_50 = tpu.memref_slice %arg2[%dma_start3A_47, %mul3A_46] : memref<2x320000xi32, #tpu.memory_space<hbm>> -> memref<1x128xi32, #tpu.memory_space<hbm>>
    %dma_start3A_51 = tpu.memref_squeeze %dma_start3A_50 : memref<1x128xi32, #tpu.memory_space<hbm>> -> memref<128xi32, #tpu.memory_space<hbm>>
    tpu.enqueue_dma source(%dma_start3A_51 : memref<128xi32, #tpu.memory_space<hbm>>) target(%arg10 : memref<128xi32, #tpu.memory_space<vmem>>) target_semaphore(%arg20 : memref<!tpu.dma_semaphore, #tpu.memory_space<semaphore_mem>>)
    %scan3A = arith.constant 0 : i32
    %scan3A_52 = arith.constant 0 : i32
    %scan3A_53 = arith.constant 128 : i32
    %scan3A_54 = arith.addi %scan3A_52, %scan3A_53 : i32
    %scan3A_55 = arith.constant 1 : i32
    %scan3A_56 = scf.for %scan3A_132 = %scan3A_52 to %scan3A_54 step %scan3A_55 iter_args(%scan3A_133 = %scan3A) -> (i32)  : i32 {
      %broadcast_in_dim3A = arith.constant 0.000000e+00 : f32
      %broadcast_in_dim3A_134 = vector.broadcast %broadcast_in_dim3A : f32 to vector<16xf32>
      %swap3A = arith.index_cast %scan3A_132 : i32 to index
      %swap3A_135 = arith.constant 0 : index
      %swap3A_136 = tpu.vector_load %arg11[%swap3A, %swap3A_135] {strides = array<i32>} : memref<128x128xf32, #tpu.memory_space<vmem>>, vector<1x16xf32>,
      %swap3A_137 = vector.shape_cast %swap3A_136 : vector<1x16xf32> to vector<16xf32>
      %swap3A_138 = vector.shape_cast %broadcast_in_dim3A_134 : vector<16xf32> to vector<1x16xf32>
      tpu.vector_store %arg11[%swap3A, %swap3A_135], %swap3A_138 {strides = array<i32>} : memref<128x128xf32, #tpu.memory_space<vmem>>, vector<1x16xf32>,
      %broadcast_in_dim3A_139 = arith.constant 0.000000e+00 : f32
      %broadcast_in_dim3A_140 = vector.broadcast %broadcast_in_dim3A_139 : f32 to vector<16xf32>
      %swap3A_141 = arith.index_cast %scan3A_132 : i32 to index
      %swap3A_142 = arith.constant 16 : index
      %swap3A_143 = tpu.vector_load %arg11[%swap3A_141, %swap3A_142] {strides = array<i32>} : memref<128x128xf32, #tpu.memory_space<vmem>>, vector<1x16xf32>,
      %swap3A_144 = vector.shape_cast %swap3A_143 : vector<1x16xf32> to vector<16xf32>
      %swap3A_145 = vector.shape_cast %broadcast_in_dim3A_140 : vector<16xf32> to vector<1x16xf32>
      tpu.vector_store %arg11[%swap3A_141, %swap3A_142], %swap3A_145 {strides = array<i32>} : memref<128x128xf32, #tpu.memory_space<vmem>>, vector<1x16xf32>,
      %broadcast_in_dim3A_146 = arith.constant 0.000000e+00 : f32
      %broadcast_in_dim3A_147 = vector.broadcast %broadcast_in_dim3A_146 : f32 to vector<16xf32>
      %swap3A_148 = arith.index_cast %scan3A_132 : i32 to index
      %swap3A_149 = arith.constant 32 : index
      %swap3A_150 = tpu.vector_load %arg11[%swap3A_148, %swap3A_149] {strides = array<i32>} : memref<128x128xf32, #tpu.memory_space<vmem>>, vector<1x16xf32>,
      %swap3A_151 = vector.shape_cast %swap3A_150 : vector<1x16xf32> to vector<16xf32>
      %swap3A_152 = vector.shape_cast %broadcast_in_dim3A_147 : vector<16xf32> to vector<1x16xf32>
      tpu.vector_store %arg11[%swap3A_148, %swap3A_149], %swap3A_152 {strides = array<i32>} : memref<128x128xf32, #tpu.memory_space<vmem>>, vector<1x16xf32>,
      %broadcast_in_dim3A_153 = arith.constant 0.000000e+00 : f32
      %broadcast_in_dim3A_154 = vector.broadcast %broadcast_in_dim3A_153 : f32 to vector<16xf32>
      %swap3A_155 = arith.index_cast %scan3A_132 : i32 to index
      %swap3A_156 = arith.constant 48 : index
      %swap3A_157 = tpu.vector_load %arg11[%swap3A_155, %swap3A_156] {strides = array<i32>} : memref<128x128xf32, #tpu.memory_space<vmem>>, vector<1x16xf32>,
      %swap3A_158 = vector.shape_cast %swap3A_157 : vector<1x16xf32> to vector<16xf32>
      %swap3A_159 = vector.shape_cast %broadcast_in_dim3A_154 : vector<16xf32> to vector<1x16xf32>
      tpu.vector_store %arg11[%swap3A_155, %swap3A_156], %swap3A_159 {strides = array<i32>} : memref<128x128xf32, #tpu.memory_space<vmem>>, vector<1x16xf32>,
      %broadcast_in_dim3A_160 = arith.constant 0.000000e+00 : f32
      %broadcast_in_dim3A_161 = vector.broadcast %broadcast_in_dim3A_160 : f32 to vector<16xf32>
      %swap3A_162 = arith.index_cast %scan3A_132 : i32 to index
      %swap3A_163 = arith.constant 64 : index
      %swap3A_164 = tpu.vector_load %arg11[%swap3A_162, %swap3A_163] {strides = array<i32>} : memref<128x128xf32, #tpu.memory_space<vmem>>, vector<1x16xf32>,
      %swap3A_165 = vector.shape_cast %swap3A_164 : vector<1x16xf32> to vector<16xf32>
      %swap3A_166 = vector.shape_cast %broadcast_in_dim3A_161 : vector<16xf32> to vector<1x16xf32>
      tpu.vector_store %arg11[%swap3A_162, %swap3A_163], %swap3A_166 {strides = array<i32>} : memref<128x128xf32, #tpu.memory_space<vmem>>, vector<1x16xf32>,
      %broadcast_in_dim3A_167 = arith.constant 0.000000e+00 : f32
      %broadcast_in_dim3A_168 = vector.broadcast %broadcast_in_dim3A_167 : f32 to vector<16xf32>
      %swap3A_169 = arith.index_cast %scan3A_132 : i32 to index
      %swap3A_170 = arith.constant 80 : index
      %swap3A_171 = tpu.vector_load %arg11[%swap3A_169, %swap3A_170] {strides = array<i32>} : memref<128x128xf32, #tpu.memory_space<vmem>>, vector<1x16xf32>,
      %swap3A_172 = vector.shape_cast %swap3A_171 : vector<1x16xf32> to vector<16xf32>
      %swap3A_173 = vector.shape_cast %broadcast_in_dim3A_168 : vector<16xf32> to vector<1x16xf32>
      tpu.vector_store %arg11[%swap3A_169, %swap3A_170], %swap3A_173 {strides = array<i32>} : memref<128x128xf32, #tpu.memory_space<vmem>>, vector<1x16xf32>,
      %broadcast_in_dim3A_174 = arith.constant 0.000000e+00 : f32
      %broadcast_in_dim3A_175 = vector.broadcast %broadcast_in_dim3A_174 : f32 to vector<16xf32>
      %swap3A_176 = arith.index_cast %scan3A_132 : i32 to index
      %swap3A_177 = arith.constant 96 : index
      %swap3A_178 = tpu.vector_load %arg11[%swap3A_176, %swap3A_177] {strides = array<i32>} : memref<128x128xf32, #tpu.memory_space<vmem>>, vector<1x16xf32>,
      %swap3A_179 = vector.shape_cast %swap3A_178 : vector<1x16xf32> to vector<16xf32>
      %swap3A_180 = vector.shape_cast %broadcast_in_dim3A_175 : vector<16xf32> to vector<1x16xf32>
      tpu.vector_store %arg11[%swap3A_176, %swap3A_177], %swap3A_180 {strides = array<i32>} : memref<128x128xf32, #tpu.memory_space<vmem>>, vector<1x16xf32>,
      %broadcast_in_dim3A_181 = arith.constant 0.000000e+00 : f32
      %broadcast_in_dim3A_182 = vector.broadcast %broadcast_in_dim3A_181 : f32 to vector<16xf32>
      %swap3A_183 = arith.index_cast %scan3A_132 : i32 to index
      %swap3A_184 = arith.constant 112 : index
      %swap3A_185 = tpu.vector_load %arg11[%swap3A_183, %swap3A_184] {strides = array<i32>} : memref<128x128xf32, #tpu.memory_space<vmem>>, vector<1x16xf32>,
      %swap3A_186 = vector.shape_cast %swap3A_185 : vector<1x16xf32> to vector<16xf32>
      %swap3A_187 = vector.shape_cast %broadcast_in_dim3A_182 : vector<16xf32> to vector<1x16xf32>
      tpu.vector_store %arg11[%swap3A_183, %swap3A_184], %swap3A_187 {strides = array<i32>} : memref<128x128xf32, #tpu.memory_space<vmem>>, vector<1x16xf32>,
      %scan3A_188 = arith.constant 0 : i32
      scf.yield %scan3A_188 : i32
    }
    %scan3A_57 = arith.constant 128 : i32
    %add3A_58 = arith.constant 0 : i32
    %add3A_59 = arith.addi %mul3A_2, %add3A_58 : i32
    "tpu.region"() ({
      %run_scoped3A = tpu.sem_alloc : memref<!tpu.dma_semaphore, #tpu.memory_space<semaphore_mem>>
      %dma_start3A_132 = arith.constant 0 : i32
      %dma_start3A_133 = tpu.memref_slice %arg14[%add3A_59, %dma_start3A_132] : memref<10000x128xf32, #tpu.memory_space<vmem_shared>> -> memref<128x128xf32, #tpu.memory_space<vmem_shared>>
      %dma_start3A_134 = arith.constant 0 : i32
      %dma_start3A_135 = tpu.memref_slice %arg14[%add3A_59, %dma_start3A_134] : memref<10000x128xf32, #tpu.memory_space<vmem_shared>> -> memref<128x128xf32, #tpu.memory_space<vmem_shared>>
      tpu.enqueue_dma source(%arg11 : memref<128x128xf32, #tpu.memory_space<vmem>>) target(%dma_start3A_135 : memref<128x128xf32, #tpu.memory_space<vmem_shared>>) target_semaphore(%run_scoped3A : memref<!tpu.dma_semaphore, #tpu.memory_space<semaphore_mem>>)
      %dma_wait3A_136 = arith.constant 0 : i32
      %dma_wait3A_137 = tpu.memref_slice %arg14[%add3A_59, %dma_wait3A_136] : memref<10000x128xf32, #tpu.memory_space<vmem_shared>> -> memref<128x128xf32, #tpu.memory_space<vmem_shared>>
      %dma_wait3A_138 = arith.constant 0 : i32
      %dma_wait3A_139 = tpu.memref_slice %arg14[%add3A_59, %dma_wait3A_138] : memref<10000x128xf32, #tpu.memory_space<vmem_shared>> -> memref<128x128xf32, #tpu.memory_space<vmem_shared>>
      tpu.wait_dma2 semaphore(%run_scoped3A : memref<!tpu.dma_semaphore, #tpu.memory_space<semaphore_mem>>) src(%arg11 : memref<128x128xf32, #tpu.memory_space<vmem>>) dst(%dma_wait3A_139 : memref<128x128xf32, #tpu.memory_space<vmem_shared>>)
      tpu.yield
    }) : () -> ()
    %add3A_60 = arith.constant 128 : i32
    %add3A_61 = arith.addi %mul3A_2, %add3A_60 : i32
    "tpu.region"() ({
      %run_scoped3A = tpu.sem_alloc : memref<!tpu.dma_semaphore, #tpu.memory_space<semaphore_mem>>
      %dma_start3A_132 = arith.constant 0 : i32
      %dma_start3A_133 = tpu.memref_slice %arg14[%add3A_61, %dma_start3A_132] : memref<10000x128xf32, #tpu.memory_space<vmem_shared>> -> memref<128x128xf32, #tpu.memory_space<vmem_shared>>
      %dma_start3A_134 = arith.constant 0 : i32
      %dma_start3A_135 = tpu.memref_slice %arg14[%add3A_61, %dma_start3A_134] : memref<10000x128xf32, #tpu.memory_space<vmem_shared>> -> memref<128x128xf32, #tpu.memory_space<vmem_shared>>
      tpu.enqueue_dma source(%arg11 : memref<128x128xf32, #tpu.memory_space<vmem>>) target(%dma_start3A_135 : memref<128x128xf32, #tpu.memory_space<vmem_shared>>) target_semaphore(%run_scoped3A : memref<!tpu.dma_semaphore, #tpu.memory_space<semaphore_mem>>)
      %dma_wait3A_136 = arith.constant 0 : i32
      %dma_wait3A_137 = tpu.memref_slice %arg14[%add3A_61, %dma_wait3A_136] : memref<10000x128xf32, #tpu.memory_space<vmem_shared>> -> memref<128x128xf32, #tpu.memory_space<vmem_shared>>
      %dma_wait3A_138 = arith.constant 0 : i32
      %dma_wait3A_139 = tpu.memref_slice %arg14[%add3A_61, %dma_wait3A_138] : memref<10000x128xf32, #tpu.memory_space<vmem_shared>> -> memref<128x128xf32, #tpu.memory_space<vmem_shared>>
      tpu.wait_dma2 semaphore(%run_scoped3A : memref<!tpu.dma_semaphore, #tpu.memory_space<semaphore_mem>>) src(%arg11 : memref<128x128xf32, #tpu.memory_space<vmem>>) dst(%dma_wait3A_139 : memref<128x128xf32, #tpu.memory_space<vmem_shared>>)
      tpu.yield
    }) : () -> ()
    %add3A_62 = arith.constant 256 : i32
    %add3A_63 = arith.addi %mul3A_2, %add3A_62 : i32
    "tpu.region"() ({
      %run_scoped3A = tpu.sem_alloc : memref<!tpu.dma_semaphore, #tpu.memory_space<semaphore_mem>>
      %dma_start3A_132 = arith.constant 0 : i32
      %dma_start3A_133 = tpu.memref_slice %arg14[%add3A_63, %dma_start3A_132] : memref<10000x128xf32, #tpu.memory_space<vmem_shared>> -> memref<128x128xf32, #tpu.memory_space<vmem_shared>>
      %dma_start3A_134 = arith.constant 0 : i32
      %dma_start3A_135 = tpu.memref_slice %arg14[%add3A_63, %dma_start3A_134] : memref<10000x128xf32, #tpu.memory_space<vmem_shared>> -> memref<128x128xf32, #tpu.memory_space<vmem_shared>>
      tpu.enqueue_dma source(%arg11 : memref<128x128xf32, #tpu.memory_space<vmem>>) target(%dma_start3A_135 : memref<128x128xf32, #tpu.memory_space<vmem_shared>>) target_semaphore(%run_scoped3A : memref<!tpu.dma_semaphore, #tpu.memory_space<semaphore_mem>>)
      %dma_wait3A_136 = arith.constant 0 : i32
      %dma_wait3A_137 = tpu.memref_slice %arg14[%add3A_63, %dma_wait3A_136] : memref<10000x128xf32, #tpu.memory_space<vmem_shared>> -> memref<128x128xf32, #tpu.memory_space<vmem_shared>>
      %dma_wait3A_138 = arith.constant 0 : i32
      %dma_wait3A_139 = tpu.memref_slice %arg14[%add3A_63, %dma_wait3A_138] : memref<10000x128xf32, #tpu.memory_space<vmem_shared>> -> memref<128x128xf32, #tpu.memory_space<vmem_shared>>
      tpu.wait_dma2 semaphore(%run_scoped3A : memref<!tpu.dma_semaphore, #tpu.memory_space<semaphore_mem>>) src(%arg11 : memref<128x128xf32, #tpu.memory_space<vmem>>) dst(%dma_wait3A_139 : memref<128x128xf32, #tpu.memory_space<vmem_shared>>)
      tpu.yield
    }) : () -> ()
    %add3A_64 = arith.constant 384 : i32
    %add3A_65 = arith.addi %mul3A_2, %add3A_64 : i32
    "tpu.region"() ({
      %run_scoped3A = tpu.sem_alloc : memref<!tpu.dma_semaphore, #tpu.memory_space<semaphore_mem>>
      %dma_start3A_132 = arith.constant 0 : i32
      %dma_start3A_133 = tpu.memref_slice %arg14[%add3A_65, %dma_start3A_132] : memref<10000x128xf32, #tpu.memory_space<vmem_shared>> -> memref<128x128xf32, #tpu.memory_space<vmem_shared>>
      %dma_start3A_134 = arith.constant 0 : i32
      %dma_start3A_135 = tpu.memref_slice %arg14[%add3A_65, %dma_start3A_134] : memref<10000x128xf32, #tpu.memory_space<vmem_shared>> -> memref<128x128xf32, #tpu.memory_space<vmem_shared>>
      tpu.enqueue_dma source(%arg11 : memref<128x128xf32, #tpu.memory_space<vmem>>) target(%dma_start3A_135 : memref<128x128xf32, #tpu.memory_space<vmem_shared>>) target_semaphore(%run_scoped3A : memref<!tpu.dma_semaphore, #tpu.memory_space<semaphore_mem>>)
      %dma_wait3A_136 = arith.constant 0 : i32
      %dma_wait3A_137 = tpu.memref_slice %arg14[%add3A_65, %dma_wait3A_136] : memref<10000x128xf32, #tpu.memory_space<vmem_shared>> -> memref<128x128xf32, #tpu.memory_space<vmem_shared>>
      %dma_wait3A_138 = arith.constant 0 : i32
      %dma_wait3A_139 = tpu.memref_slice %arg14[%add3A_65, %dma_wait3A_138] : memref<10000x128xf32, #tpu.memory_space<vmem_shared>> -> memref<128x128xf32, #tpu.memory_space<vmem_shared>>
      tpu.wait_dma2 semaphore(%run_scoped3A : memref<!tpu.dma_semaphore, #tpu.memory_space<semaphore_mem>>) src(%arg11 : memref<128x128xf32, #tpu.memory_space<vmem>>) dst(%dma_wait3A_139 : memref<128x128xf32, #tpu.memory_space<vmem_shared>>)
      tpu.yield
    }) : () -> ()
    %lt3A = arith.constant 15 : i32
    %lt3A_66 = arith.cmpi slt, %arg1, %lt3A : i32
    %convert_element_type3A = arith.extui %lt3A_66 : i1 to i32
    %cond3A = arith.constant 0 : i32
    %cond3A_67 = arith.cmpi ne, %convert_element_type3A, %cond3A : i32
    scf.if %cond3A_67 {
      %add3A_132 = arith.constant 512 : i32
      %add3A_133 = arith.addi %mul3A_2, %add3A_132 : i32
      "tpu.region"() ({
        %run_scoped3A = tpu.sem_alloc : memref<!tpu.dma_semaphore, #tpu.memory_space<semaphore_mem>>
        %dma_start3A_134 = arith.constant 0 : i32
        %dma_start3A_135 = arith.constant 0 : i32
        %dma_start3A_136 = tpu.memref_slice %arg11[%dma_start3A_134, %dma_start3A_135] : memref<128x128xf32, #tpu.memory_space<vmem>> -> memref<120x128xf32, #tpu.memory_space<vmem>>
        %dma_start3A_137 = arith.constant 0 : i32
        %dma_start3A_138 = tpu.memref_slice %arg14[%add3A_133, %dma_start3A_137] : memref<10000x128xf32, #tpu.memory_space<vmem_shared>> -> memref<120x128xf32, #tpu.memory_space<vmem_shared>>
        %dma_start3A_139 = arith.constant 0 : i32
        %dma_start3A_140 = tpu.memref_slice %arg14[%add3A_133, %dma_start3A_139] : memref<10000x128xf32, #tpu.memory_space<vmem_shared>> -> memref<120x128xf32, #tpu.memory_space<vmem_shared>>
        %dma_start3A_141 = arith.constant 0 : i32
        %dma_start3A_142 = arith.constant 0 : i32
        %dma_start3A_143 = tpu.memref_slice %arg11[%dma_start3A_141, %dma_start3A_142] : memref<128x128xf32, #tpu.memory_space<vmem>> -> memref<120x128xf32, #tpu.memory_space<vmem>>
        tpu.enqueue_dma source(%dma_start3A_143 : memref<120x128xf32, #tpu.memory_space<vmem>>) target(%dma_start3A_140 : memref<120x128xf32, #tpu.memory_space<vmem_shared>>) target_semaphore(%run_scoped3A : memref<!tpu.dma_semaphore, #tpu.memory_space<semaphore_mem>>)
        %dma_wait3A_144 = arith.constant 0 : i32
        %dma_wait3A_145 = arith.constant 0 : i32
        %dma_wait3A_146 = tpu.memref_slice %arg11[%dma_wait3A_144, %dma_wait3A_145] : memref<128x128xf32, #tpu.memory_space<vmem>> -> memref<120x128xf32, #tpu.memory_space<vmem>>
        %dma_wait3A_147 = arith.constant 0 : i32
        %dma_wait3A_148 = tpu.memref_slice %arg14[%add3A_133, %dma_wait3A_147] : memref<10000x128xf32, #tpu.memory_space<vmem_shared>> -> memref<120x128xf32, #tpu.memory_space<vmem_shared>>
        %dma_wait3A_149 = arith.constant 0 : i32
        %dma_wait3A_150 = tpu.memref_slice %arg14[%add3A_133, %dma_wait3A_149] : memref<10000x128xf32, #tpu.memory_space<vmem_shared>> -> memref<120x128xf32, #tpu.memory_space<vmem_shared>>
        %dma_wait3A_151 = arith.constant 0 : i32
        %dma_wait3A_152 = arith.constant 0 : i32
        %dma_wait3A_153 = tpu.memref_slice %arg11[%dma_wait3A_151, %dma_wait3A_152] : memref<128x128xf32, #tpu.memory_space<vmem>> -> memref<120x128xf32, #tpu.memory_space<vmem>>
        tpu.wait_dma2 semaphore(%run_scoped3A : memref<!tpu.dma_semaphore, #tpu.memory_space<semaphore_mem>>) src(%dma_wait3A_153 : memref<120x128xf32, #tpu.memory_space<vmem>>) dst(%dma_wait3A_150 : memref<120x128xf32, #tpu.memory_space<vmem_shared>>)
        tpu.yield
      }) : () -> ()
    } else {
    }
    %eq3A = arith.constant 15 : i32
    %eq3A_68 = arith.cmpi eq, %arg1, %eq3A : i32
    %convert_element_type3A_69 = arith.extui %eq3A_68 : i1 to i32
    %cond3A_70 = arith.constant 0 : i32
    %cond3A_71 = arith.cmpi ne, %convert_element_type3A_69, %cond3A_70 : i32
    scf.if %cond3A_71 {
      %add3A_132 = arith.constant 512 : i32
      %add3A_133 = arith.addi %mul3A_2, %add3A_132 : i32
      "tpu.region"() ({
        %run_scoped3A = tpu.sem_alloc : memref<!tpu.dma_semaphore, #tpu.memory_space<semaphore_mem>>
        %dma_start3A_134 = arith.constant 0 : i32
        %dma_start3A_135 = arith.constant 0 : i32
        %dma_start3A_136 = tpu.memref_slice %arg11[%dma_start3A_134, %dma_start3A_135] : memref<128x128xf32, #tpu.memory_space<vmem>> -> memref<8x128xf32, #tpu.memory_space<vmem>>
        %dma_start3A_137 = arith.constant 0 : i32
        %dma_start3A_138 = tpu.memref_slice %arg14[%add3A_133, %dma_start3A_137] : memref<10000x128xf32, #tpu.memory_space<vmem_shared>> -> memref<8x128xf32, #tpu.memory_space<vmem_shared>>
        %dma_start3A_139 = arith.constant 0 : i32
        %dma_start3A_140 = tpu.memref_slice %arg14[%add3A_133, %dma_start3A_139] : memref<10000x128xf32, #tpu.memory_space<vmem_shared>> -> memref<8x128xf32, #tpu.memory_space<vmem_shared>>
        %dma_start3A_141 = arith.constant 0 : i32
        %dma_start3A_142 = arith.constant 0 : i32
        %dma_start3A_143 = tpu.memref_slice %arg11[%dma_start3A_141, %dma_start3A_142] : memref<128x128xf32, #tpu.memory_space<vmem>> -> memref<8x128xf32, #tpu.memory_space<vmem>>
        tpu.enqueue_dma source(%dma_start3A_143 : memref<8x128xf32, #tpu.memory_space<vmem>>) target(%dma_start3A_140 : memref<8x128xf32, #tpu.memory_space<vmem_shared>>) target_semaphore(%run_scoped3A : memref<!tpu.dma_semaphore, #tpu.memory_space<semaphore_mem>>)
        %dma_wait3A_144 = arith.constant 0 : i32
        %dma_wait3A_145 = arith.constant 0 : i32
        %dma_wait3A_146 = tpu.memref_slice %arg11[%dma_wait3A_144, %dma_wait3A_145] : memref<128x128xf32, #tpu.memory_space<vmem>> -> memref<8x128xf32, #tpu.memory_space<vmem>>
        %dma_wait3A_147 = arith.constant 0 : i32
        %dma_wait3A_148 = tpu.memref_slice %arg14[%add3A_133, %dma_wait3A_147] : memref<10000x128xf32, #tpu.memory_space<vmem_shared>> -> memref<8x128xf32, #tpu.memory_space<vmem_shared>>
        %dma_wait3A_149 = arith.constant 0 : i32
        %dma_wait3A_150 = tpu.memref_slice %arg14[%add3A_133, %dma_wait3A_149] : memref<10000x128xf32, #tpu.memory_space<vmem_shared>> -> memref<8x128xf32, #tpu.memory_space<vmem_shared>>
        %dma_wait3A_151 = arith.constant 0 : i32
        %dma_wait3A_152 = arith.constant 0 : i32
        %dma_wait3A_153 = tpu.memref_slice %arg11[%dma_wait3A_151, %dma_wait3A_152] : memref<128x128xf32, #tpu.memory_space<vmem>> -> memref<8x128xf32, #tpu.memory_space<vmem>>
        tpu.wait_dma2 semaphore(%run_scoped3A : memref<!tpu.dma_semaphore, #tpu.memory_space<semaphore_mem>>) src(%dma_wait3A_153 : memref<8x128xf32, #tpu.memory_space<vmem>>) dst(%dma_wait3A_150 : memref<8x128xf32, #tpu.memory_space<vmem_shared>>)
        tpu.yield
      }) : () -> ()
    } else {
    }
    %barrier3A = arith.constant 0 : index
    tpu.barrier barrier_id(%barrier3A)
    %add3A_72 = arith.constant 0 : i32
    %add3A_73 = arith.addi %mul3A_4, %add3A_72 : i32
    %mul3A_74 = arith.constant 128 : i32
    %mul3A_75 = arith.muli %add3A_73, %mul3A_74 : i32
    %dma_wait3A = arith.constant 0 : i32
    %dma_wait3A_76 = tpu.memref_slice %arg2[%dma_wait3A, %mul3A_75] : memref<2x320000xi32, #tpu.memory_space<hbm>> -> memref<1x128xi32, #tpu.memory_space<hbm>>
    %dma_wait3A_77 = tpu.memref_squeeze %dma_wait3A_76 : memref<1x128xi32, #tpu.memory_space<hbm>> -> memref<128xi32, #tpu.memory_space<hbm>>
    %dma_wait3A_78 = tpu.memref_slice %arg2[%dma_wait3A, %mul3A_75] : memref<2x320000xi32, #tpu.memory_space<hbm>> -> memref<1x128xi32, #tpu.memory_space<hbm>>
    %dma_wait3A_79 = tpu.memref_squeeze %dma_wait3A_78 : memref<1x128xi32, #tpu.memory_space<hbm>> -> memref<128xi32, #tpu.memory_space<hbm>>
    tpu.wait_dma2 semaphore(%arg18 : memref<!tpu.dma_semaphore, #tpu.memory_space<semaphore_mem>>) src(%dma_wait3A_79 : memref<128xi32, #tpu.memory_space<hbm>>) dst(%arg5 : memref<128xi32, #tpu.memory_space<vmem>>)
    %mul3A_80 = arith.constant 128 : i32
    %mul3A_81 = arith.muli %add3A_73, %mul3A_80 : i32
    %dma_wait3A_82 = arith.constant 1 : i32
    %dma_wait3A_83 = tpu.memref_slice %arg2[%dma_wait3A_82, %mul3A_81] : memref<2x320000xi32, #tpu.memory_space<hbm>> -> memref<1x128xi32, #tpu.memory_space<hbm>>
    %dma_wait3A_84 = tpu.memref_squeeze %dma_wait3A_83 : memref<1x128xi32, #tpu.memory_space<hbm>> -> memref<128xi32, #tpu.memory_space<hbm>>
    %dma_wait3A_85 = tpu.memref_slice %arg2[%dma_wait3A_82, %mul3A_81] : memref<2x320000xi32, #tpu.memory_space<hbm>> -> memref<1x128xi32, #tpu.memory_space<hbm>>
    %dma_wait3A_86 = tpu.memref_squeeze %dma_wait3A_85 : memref<1x128xi32, #tpu.memory_space<hbm>> -> memref<128xi32, #tpu.memory_space<hbm>>
    tpu.wait_dma2 semaphore(%arg18 : memref<!tpu.dma_semaphore, #tpu.memory_space<semaphore_mem>>) src(%dma_wait3A_86 : memref<128xi32, #tpu.memory_space<hbm>>) dst(%arg8 : memref<128xi32, #tpu.memory_space<vmem>>)
    %dma_start3A_87 = arith.constant 0 : i32
    %dma_start3A_88 = arith.constant 0 : i32
    %dma_start3A_89 = tpu.memref_slice %arg3[%dma_start3A_87, %dma_start3A_88] : memref<10000x128xf32, #tpu.memory_space<hbm>> -> memref<10000x128xf32, #tpu.memory_space<hbm>>
    tpu.enqueue_indirect_dma source(%dma_start3A_89 : memref<10000x128xf32, #tpu.memory_space<hbm>>) target(%arg11 : memref<128x128xf32, #tpu.memory_space<vmem>>) offsets(%arg5 : memref<128xi32, #tpu.memory_space<vmem>>) semaphore(%arg15 : memref<!tpu.dma_semaphore, #tpu.memory_space<semaphore_mem>>)
    %add3A_90 = arith.constant 1 : i32
    %add3A_91 = arith.addi %mul3A_4, %add3A_90 : i32
    %mul3A_92 = arith.constant 128 : i32
    %mul3A_93 = arith.muli %add3A_91, %mul3A_92 : i32
    %dma_wait3A_94 = arith.constant 0 : i32
    %dma_wait3A_95 = tpu.memref_slice %arg2[%dma_wait3A_94, %mul3A_93] : memref<2x320000xi32, #tpu.memory_space<hbm>> -> memref<1x128xi32, #tpu.memory_space<hbm>>
    %dma_wait3A_96 = tpu.memref_squeeze %dma_wait3A_95 : memref<1x128xi32, #tpu.memory_space<hbm>> -> memref<128xi32, #tpu.memory_space<hbm>>
    %dma_wait3A_97 = tpu.memref_slice %arg2[%dma_wait3A_94, %mul3A_93] : memref<2x320000xi32, #tpu.memory_space<hbm>> -> memref<1x128xi32, #tpu.memory_space<hbm>>
    %dma_wait3A_98 = tpu.memref_squeeze %dma_wait3A_97 : memref<1x128xi32, #tpu.memory_space<hbm>> -> memref<128xi32, #tpu.memory_space<hbm>>
    tpu.wait_dma2 semaphore(%arg19 : memref<!tpu.dma_semaphore, #tpu.memory_space<semaphore_mem>>) src(%dma_wait3A_98 : memref<128xi32, #tpu.memory_space<hbm>>) dst(%arg6 : memref<128xi32, #tpu.memory_space<vmem>>)
    %mul3A_99 = arith.constant 128 : i32
    %mul3A_100 = arith.muli %add3A_91, %mul3A_99 : i32
    %dma_wait3A_101 = arith.constant 1 : i32
    %dma_wait3A_102 = tpu.memref_slice %arg2[%dma_wait3A_101, %mul3A_100] : memref<2x320000xi32, #tpu.memory_space<hbm>> -> memref<1x128xi32, #tpu.memory_space<hbm>>
    %dma_wait3A_103 = tpu.memref_squeeze %dma_wait3A_102 : memref<1x128xi32, #tpu.memory_space<hbm>> -> memref<128xi32, #tpu.memory_space<hbm>>
    %dma_wait3A_104 = tpu.memref_slice %arg2[%dma_wait3A_101, %mul3A_100] : memref<2x320000xi32, #tpu.memory_space<hbm>> -> memref<1x128xi32, #tpu.memory_space<hbm>>
    %dma_wait3A_105 = tpu.memref_squeeze %dma_wait3A_104 : memref<1x128xi32, #tpu.memory_space<hbm>> -> memref<128xi32, #tpu.memory_space<hbm>>
    tpu.wait_dma2 semaphore(%arg19 : memref<!tpu.dma_semaphore, #tpu.memory_space<semaphore_mem>>) src(%dma_wait3A_105 : memref<128xi32, #tpu.memory_space<hbm>>) dst(%arg9 : memref<128xi32, #tpu.memory_space<vmem>>)
    %dma_start3A_106 = arith.constant 0 : i32
    %dma_start3A_107 = arith.constant 0 : i32
    %dma_start3A_108 = tpu.memref_slice %arg3[%dma_start3A_106, %dma_start3A_107] : memref<10000x128xf32, #tpu.memory_space<hbm>> -> memref<10000x128xf32, #tpu.memory_space<hbm>>
    tpu.enqueue_indirect_dma source(%dma_start3A_108 : memref<10000x128xf32, #tpu.memory_space<hbm>>) target(%arg12 : memref<128x128xf32, #tpu.memory_space<vmem>>) offsets(%arg6 : memref<128xi32, #tpu.memory_space<vmem>>) semaphore(%arg16 : memref<!tpu.dma_semaphore, #tpu.memory_space<semaphore_mem>>)
    %scan3A_109 = arith.constant 0 : i32
    %scan3A_110 = arith.constant 0 : i32
    %scan3A_111 = arith.constant 26 : i32
    %scan3A_112 = arith.addi %scan3A_110, %scan3A_111 : i32
    %scan3A_113 = arith.constant 1 : i32
    %scan3A_114 = scf.for %scan3A_132 = %scan3A_110 to %scan3A_112 step %scan3A_113 iter_args(%scan3A_133 = %scan3A_109) -> (i32)  : i32 {
      %mul3A_134 = arith.constant 3 : i32
      %mul3A_135 = arith.muli %scan3A_132, %mul3A_134 : i32
      %add3A_136 = arith.constant 0 : i32
      %add3A_137 = arith.addi %mul3A_135, %add3A_136 : i32
      %add3A_138 = arith.constant 2 : i32
      %add3A_139 = arith.addi %add3A_137, %add3A_138 : i32
      %lt3A_140 = arith.constant 78 : i32
      %lt3A_141 = arith.cmpi slt, %add3A_139, %lt3A_140 : i32
      %convert_element_type3A_142 = arith.extui %lt3A_141 : i1 to i32
      %cond3A_143 = arith.constant 0 : i32
      %cond3A_144 = arith.cmpi ne, %convert_element_type3A_142, %cond3A_143 : i32
      scf.if %cond3A_144 {
        %add3A_198 = arith.addi %mul3A_4, %add3A_137 : i32
        %add3A_199 = arith.constant 2 : i32
        %add3A_200 = arith.addi %add3A_198, %add3A_199 : i32
        %mul3A_201 = arith.constant 128 : i32
        %mul3A_202 = arith.muli %add3A_200, %mul3A_201 : i32
        %dma_wait3A_203 = arith.constant 0 : i32
        %dma_wait3A_204 = tpu.memref_slice %arg2[%dma_wait3A_203, %mul3A_202] : memref<2x320000xi32, #tpu.memory_space<hbm>> -> memref<1x128xi32, #tpu.memory_space<hbm>>
        %dma_wait3A_205 = tpu.memref_squeeze %dma_wait3A_204 : memref<1x128xi32, #tpu.memory_space<hbm>> -> memref<128xi32, #tpu.memory_space<hbm>>
        %dma_wait3A_206 = tpu.memref_slice %arg2[%dma_wait3A_203, %mul3A_202] : memref<2x320000xi32, #tpu.memory_space<hbm>> -> memref<1x128xi32, #tpu.memory_space<hbm>>
        %dma_wait3A_207 = tpu.memref_squeeze %dma_wait3A_206 : memref<1x128xi32, #tpu.memory_space<hbm>> -> memref<128xi32, #tpu.memory_space<hbm>>
        tpu.wait_dma2 semaphore(%arg20 : memref<!tpu.dma_semaphore, #tpu.memory_space<semaphore_mem>>) src(%dma_wait3A_207 : memref<128xi32, #tpu.memory_space<hbm>>) dst(%arg7 : memref<128xi32, #tpu.memory_space<vmem>>)
        %mul3A_208 = arith.constant 128 : i32
        %mul3A_209 = arith.muli %add3A_200, %mul3A_208 : i32
        %dma_wait3A_210 = arith.constant 1 : i32
        %dma_wait3A_211 = tpu.memref_slice %arg2[%dma_wait3A_210, %mul3A_209] : memref<2x320000xi32, #tpu.memory_space<hbm>> -> memref<1x128xi32, #tpu.memory_space<hbm>>
        %dma_wait3A_212 = tpu.memref_squeeze %dma_wait3A_211 : memref<1x128xi32, #tpu.memory_space<hbm>> -> memref<128xi32, #tpu.memory_space<hbm>>
        %dma_wait3A_213 = tpu.memref_slice %arg2[%dma_wait3A_210, %mul3A_209] : memref<2x320000xi32, #tpu.memory_space<hbm>> -> memref<1x128xi32, #tpu.memory_space<hbm>>
        %dma_wait3A_214 = tpu.memref_squeeze %dma_wait3A_213 : memref<1x128xi32, #tpu.memory_space<hbm>> -> memref<128xi32, #tpu.memory_space<hbm>>
        tpu.wait_dma2 semaphore(%arg20 : memref<!tpu.dma_semaphore, #tpu.memory_space<semaphore_mem>>) src(%dma_wait3A_214 : memref<128xi32, #tpu.memory_space<hbm>>) dst(%arg10 : memref<128xi32, #tpu.memory_space<vmem>>)
        %dma_start3A_215 = arith.constant 0 : i32
        %dma_start3A_216 = arith.constant 0 : i32
        %dma_start3A_217 = tpu.memref_slice %arg3[%dma_start3A_215, %dma_start3A_216] : memref<10000x128xf32, #tpu.memory_space<hbm>> -> memref<10000x128xf32, #tpu.memory_space<hbm>>
        tpu.enqueue_indirect_dma source(%dma_start3A_217 : memref<10000x128xf32, #tpu.memory_space<hbm>>) target(%arg13 : memref<128x128xf32, #tpu.memory_space<vmem>>) offsets(%arg7 : memref<128xi32, #tpu.memory_space<vmem>>) semaphore(%arg17 : memref<!tpu.dma_semaphore, #tpu.memory_space<semaphore_mem>>)
      } else {
      }
      %dma_wait3A_145 = arith.constant 0 : i32
      %dma_wait3A_146 = arith.constant 0 : i32
      %dma_wait3A_147 = tpu.memref_slice %arg3[%dma_wait3A_145, %dma_wait3A_146] : memref<10000x128xf32, #tpu.memory_space<hbm>> -> memref<10000x128xf32, #tpu.memory_space<hbm>>
      tpu.wait_indirect_dma semaphore(%arg15 : memref<!tpu.dma_semaphore, #tpu.memory_space<semaphore_mem>>) src(%dma_wait3A_147 : memref<10000x128xf32, #tpu.memory_space<hbm>>) dst(%arg11 : memref<128x128xf32, #tpu.memory_space<vmem>>)
      "tpu.region"() ({
        %run_scoped3A = tpu.sem_alloc : memref<!tpu.dma_semaphore, #tpu.memory_space<semaphore_mem>>
        %dma_start3A_198 = arith.constant 0 : i32
        %dma_start3A_199 = arith.constant 0 : i32
        %dma_start3A_200 = tpu.memref_slice %arg14[%dma_start3A_198, %dma_start3A_199] : memref<10000x128xf32, #tpu.memory_space<vmem_shared>> -> memref<10000x128xf32, #tpu.memory_space<vmem_shared>>
        tpu.enqueue_indirect_dma source(%arg11 : memref<128x128xf32, #tpu.memory_space<vmem>>) target(%dma_start3A_200 : memref<10000x128xf32, #tpu.memory_space<vmem_shared>>) offsets(%arg8 : memref<128xi32, #tpu.memory_space<vmem>>) semaphore(%run_scoped3A : memref<!tpu.dma_semaphore, #tpu.memory_space<semaphore_mem>>) {add = true}
        %dma_wait3A_201 = arith.constant 0 : i32
        %dma_wait3A_202 = arith.constant 0 : i32
        %dma_wait3A_203 = tpu.memref_slice %arg14[%dma_wait3A_201, %dma_wait3A_202] : memref<10000x128xf32, #tpu.memory_space<vmem_shared>> -> memref<10000x128xf32, #tpu.memory_space<vmem_shared>>
        tpu.wait_indirect_dma semaphore(%run_scoped3A : memref<!tpu.dma_semaphore, #tpu.memory_space<semaphore_mem>>) src(%arg11 : memref<128x128xf32, #tpu.memory_space<vmem>>) dst(%dma_wait3A_203 : memref<10000x128xf32, #tpu.memory_space<vmem_shared>>)
        tpu.yield
      }) : () -> ()
      %add3A_148 = arith.constant 3 : i32
      %add3A_149 = arith.addi %add3A_137, %add3A_148 : i32
      %lt3A_150 = arith.constant 78 : i32
      %lt3A_151 = arith.cmpi slt, %add3A_149, %lt3A_150 : i32
      %convert_element_type3A_152 = arith.extui %lt3A_151 : i1 to i32
      %cond3A_153 = arith.constant 0 : i32
      %cond3A_154 = arith.cmpi ne, %convert_element_type3A_152, %cond3A_153 : i32
      scf.if %cond3A_154 {
        %add3A_198 = arith.addi %mul3A_4, %add3A_137 : i32
        %add3A_199 = arith.constant 3 : i32
        %add3A_200 = arith.addi %add3A_198, %add3A_199 : i32
        %mul3A_201 = arith.constant 128 : i32
        %mul3A_202 = arith.muli %add3A_200, %mul3A_201 : i32
        %dma_start3A_203 = arith.constant 0 : i32
        %dma_start3A_204 = tpu.memref_slice %arg2[%dma_start3A_203, %mul3A_202] : memref<2x320000xi32, #tpu.memory_space<hbm>> -> memref<1x128xi32, #tpu.memory_space<hbm>>
        %dma_start3A_205 = tpu.memref_squeeze %dma_start3A_204 : memref<1x128xi32, #tpu.memory_space<hbm>> -> memref<128xi32, #tpu.memory_space<hbm>>
        %dma_start3A_206 = tpu.memref_slice %arg2[%dma_start3A_203, %mul3A_202] : memref<2x320000xi32, #tpu.memory_space<hbm>> -> memref<1x128xi32, #tpu.memory_space<hbm>>
        %dma_start3A_207 = tpu.memref_squeeze %dma_start3A_206 : memref<1x128xi32, #tpu.memory_space<hbm>> -> memref<128xi32, #tpu.memory_space<hbm>>
        tpu.enqueue_dma source(%dma_start3A_207 : memref<128xi32, #tpu.memory_space<hbm>>) target(%arg5 : memref<128xi32, #tpu.memory_space<vmem>>) target_semaphore(%arg18 : memref<!tpu.dma_semaphore, #tpu.memory_space<semaphore_mem>>)
        %mul3A_208 = arith.constant 128 : i32
        %mul3A_209 = arith.muli %add3A_200, %mul3A_208 : i32
        %dma_start3A_210 = arith.constant 1 : i32
        %dma_start3A_211 = tpu.memref_slice %arg2[%dma_start3A_210, %mul3A_209] : memref<2x320000xi32, #tpu.memory_space<hbm>> -> memref<1x128xi32, #tpu.memory_space<hbm>>
        %dma_start3A_212 = tpu.memref_squeeze %dma_start3A_211 : memref<1x128xi32, #tpu.memory_space<hbm>> -> memref<128xi32, #tpu.memory_space<hbm>>
        %dma_start3A_213 = tpu.memref_slice %arg2[%dma_start3A_210, %mul3A_209] : memref<2x320000xi32, #tpu.memory_space<hbm>> -> memref<1x128xi32, #tpu.memory_space<hbm>>
        %dma_start3A_214 = tpu.memref_squeeze %dma_start3A_213 : memref<1x128xi32, #tpu.memory_space<hbm>> -> memref<128xi32, #tpu.memory_space<hbm>>
        tpu.enqueue_dma source(%dma_start3A_214 : memref<128xi32, #tpu.memory_space<hbm>>) target(%arg8 : memref<128xi32, #tpu.memory_space<vmem>>) target_semaphore(%arg18 : memref<!tpu.dma_semaphore, #tpu.memory_space<semaphore_mem>>)
      } else {
      }
      %mul3A_155 = arith.constant 3 : i32
      %mul3A_156 = arith.muli %scan3A_132, %mul3A_155 : i32
      %add3A_157 = arith.constant 1 : i32
      %add3A_158 = arith.addi %mul3A_156, %add3A_157 : i32
      %add3A_159 = arith.constant 2 : i32
      %add3A_160 = arith.addi %add3A_158, %add3A_159 : i32
      %lt3A_161 = arith.constant 78 : i32
      %lt3A_162 = arith.cmpi slt, %add3A_160, %lt3A_161 : i32
      %convert_element_type3A_163 = arith.extui %lt3A_162 : i1 to i32
      %cond3A_164 = arith.constant 0 : i32
      %cond3A_165 = arith.cmpi ne, %convert_element_type3A_163, %cond3A_164 : i32
      scf.if %cond3A_165 {
        %add3A_198 = arith.addi %mul3A_4, %add3A_158 : i32
        %add3A_199 = arith.constant 2 : i32
        %add3A_200 = arith.addi %add3A_198, %add3A_199 : i32
        %mul3A_201 = arith.constant 128 : i32
        %mul3A_202 = arith.muli %add3A_200, %mul3A_201 : i32
        %dma_wait3A_203 = arith.constant 0 : i32
        %dma_wait3A_204 = tpu.memref_slice %arg2[%dma_wait3A_203, %mul3A_202] : memref<2x320000xi32, #tpu.memory_space<hbm>> -> memref<1x128xi32, #tpu.memory_space<hbm>>
        %dma_wait3A_205 = tpu.memref_squeeze %dma_wait3A_204 : memref<1x128xi32, #tpu.memory_space<hbm>> -> memref<128xi32, #tpu.memory_space<hbm>>
        %dma_wait3A_206 = tpu.memref_slice %arg2[%dma_wait3A_203, %mul3A_202] : memref<2x320000xi32, #tpu.memory_space<hbm>> -> memref<1x128xi32, #tpu.memory_space<hbm>>
        %dma_wait3A_207 = tpu.memref_squeeze %dma_wait3A_206 : memref<1x128xi32, #tpu.memory_space<hbm>> -> memref<128xi32, #tpu.memory_space<hbm>>
        tpu.wait_dma2 semaphore(%arg18 : memref<!tpu.dma_semaphore, #tpu.memory_space<semaphore_mem>>) src(%dma_wait3A_207 : memref<128xi32, #tpu.memory_space<hbm>>) dst(%arg5 : memref<128xi32, #tpu.memory_space<vmem>>)
        %mul3A_208 = arith.constant 128 : i32
        %mul3A_209 = arith.muli %add3A_200, %mul3A_208 : i32
        %dma_wait3A_210 = arith.constant 1 : i32
        %dma_wait3A_211 = tpu.memref_slice %arg2[%dma_wait3A_210, %mul3A_209] : memref<2x320000xi32, #tpu.memory_space<hbm>> -> memref<1x128xi32, #tpu.memory_space<hbm>>
        %dma_wait3A_212 = tpu.memref_squeeze %dma_wait3A_211 : memref<1x128xi32, #tpu.memory_space<hbm>> -> memref<128xi32, #tpu.memory_space<hbm>>
        %dma_wait3A_213 = tpu.memref_slice %arg2[%dma_wait3A_210, %mul3A_209] : memref<2x320000xi32, #tpu.memory_space<hbm>> -> memref<1x128xi32, #tpu.memory_space<hbm>>
        %dma_wait3A_214 = tpu.memref_squeeze %dma_wait3A_213 : memref<1x128xi32, #tpu.memory_space<hbm>> -> memref<128xi32, #tpu.memory_space<hbm>>
        tpu.wait_dma2 semaphore(%arg18 : memref<!tpu.dma_semaphore, #tpu.memory_space<semaphore_mem>>) src(%dma_wait3A_214 : memref<128xi32, #tpu.memory_space<hbm>>) dst(%arg8 : memref<128xi32, #tpu.memory_space<vmem>>)
        %dma_start3A_215 = arith.constant 0 : i32
        %dma_start3A_216 = arith.constant 0 : i32
        %dma_start3A_217 = tpu.memref_slice %arg3[%dma_start3A_215, %dma_start3A_216] : memref<10000x128xf32, #tpu.memory_space<hbm>> -> memref<10000x128xf32, #tpu.memory_space<hbm>>
        tpu.enqueue_indirect_dma source(%dma_start3A_217 : memref<10000x128xf32, #tpu.memory_space<hbm>>) target(%arg11 : memref<128x128xf32, #tpu.memory_space<vmem>>) offsets(%arg5 : memref<128xi32, #tpu.memory_space<vmem>>) semaphore(%arg15 : memref<!tpu.dma_semaphore, #tpu.memory_space<semaphore_mem>>)
      } else {
      }
      %dma_wait3A_166 = arith.constant 0 : i32
      %dma_wait3A_167 = arith.constant 0 : i32
      %dma_wait3A_168 = tpu.memref_slice %arg3[%dma_wait3A_166, %dma_wait3A_167] : memref<10000x128xf32, #tpu.memory_space<hbm>> -> memref<10000x128xf32, #tpu.memory_space<hbm>>
      tpu.wait_indirect_dma semaphore(%arg16 : memref<!tpu.dma_semaphore, #tpu.memory_space<semaphore_mem>>) src(%dma_wait3A_168 : memref<10000x128xf32, #tpu.memory_space<hbm>>) dst(%arg12 : memref<128x128xf32, #tpu.memory_space<vmem>>)
      "tpu.region"() ({
        %run_scoped3A = tpu.sem_alloc : memref<!tpu.dma_semaphore, #tpu.memory_space<semaphore_mem>>
        %dma_start3A_198 = arith.constant 0 : i32
        %dma_start3A_199 = arith.constant 0 : i32
        %dma_start3A_200 = tpu.memref_slice %arg14[%dma_start3A_198, %dma_start3A_199] : memref<10000x128xf32, #tpu.memory_space<vmem_shared>> -> memref<10000x128xf32, #tpu.memory_space<vmem_shared>>
        tpu.enqueue_indirect_dma source(%arg12 : memref<128x128xf32, #tpu.memory_space<vmem>>) target(%dma_start3A_200 : memref<10000x128xf32, #tpu.memory_space<vmem_shared>>) offsets(%arg9 : memref<128xi32, #tpu.memory_space<vmem>>) semaphore(%run_scoped3A : memref<!tpu.dma_semaphore, #tpu.memory_space<semaphore_mem>>) {add = true}
        %dma_wait3A_201 = arith.constant 0 : i32
        %dma_wait3A_202 = arith.constant 0 : i32
        %dma_wait3A_203 = tpu.memref_slice %arg14[%dma_wait3A_201, %dma_wait3A_202] : memref<10000x128xf32, #tpu.memory_space<vmem_shared>> -> memref<10000x128xf32, #tpu.memory_space<vmem_shared>>
        tpu.wait_indirect_dma semaphore(%run_scoped3A : memref<!tpu.dma_semaphore, #tpu.memory_space<semaphore_mem>>) src(%arg12 : memref<128x128xf32, #tpu.memory_space<vmem>>) dst(%dma_wait3A_203 : memref<10000x128xf32, #tpu.memory_space<vmem_shared>>)
        tpu.yield
      }) : () -> ()
      %add3A_169 = arith.constant 3 : i32
      %add3A_170 = arith.addi %add3A_158, %add3A_169 : i32
      %lt3A_171 = arith.constant 78 : i32
      %lt3A_172 = arith.cmpi slt, %add3A_170, %lt3A_171 : i32
      %convert_element_type3A_173 = arith.extui %lt3A_172 : i1 to i32
      %cond3A_174 = arith.constant 0 : i32
      %cond3A_175 = arith.cmpi ne, %convert_element_type3A_173, %cond3A_174 : i32
      scf.if %cond3A_175 {
        %add3A_198 = arith.addi %mul3A_4, %add3A_158 : i32
        %add3A_199 = arith.constant 3 : i32
        %add3A_200 = arith.addi %add3A_198, %add3A_199 : i32
        %mul3A_201 = arith.constant 128 : i32
        %mul3A_202 = arith.muli %add3A_200, %mul3A_201 : i32
        %dma_start3A_203 = arith.constant 0 : i32
        %dma_start3A_204 = tpu.memref_slice %arg2[%dma_start3A_203, %mul3A_202] : memref<2x320000xi32, #tpu.memory_space<hbm>> -> memref<1x128xi32, #tpu.memory_space<hbm>>
        %dma_start3A_205 = tpu.memref_squeeze %dma_start3A_204 : memref<1x128xi32, #tpu.memory_space<hbm>> -> memref<128xi32, #tpu.memory_space<hbm>>
        %dma_start3A_206 = tpu.memref_slice %arg2[%dma_start3A_203, %mul3A_202] : memref<2x320000xi32, #tpu.memory_space<hbm>> -> memref<1x128xi32, #tpu.memory_space<hbm>>
        %dma_start3A_207 = tpu.memref_squeeze %dma_start3A_206 : memref<1x128xi32, #tpu.memory_space<hbm>> -> memref<128xi32, #tpu.memory_space<hbm>>
        tpu.enqueue_dma source(%dma_start3A_207 : memref<128xi32, #tpu.memory_space<hbm>>) target(%arg6 : memref<128xi32, #tpu.memory_space<vmem>>) target_semaphore(%arg19 : memref<!tpu.dma_semaphore, #tpu.memory_space<semaphore_mem>>)
        %mul3A_208 = arith.constant 128 : i32
        %mul3A_209 = arith.muli %add3A_200, %mul3A_208 : i32
        %dma_start3A_210 = arith.constant 1 : i32
        %dma_start3A_211 = tpu.memref_slice %arg2[%dma_start3A_210, %mul3A_209] : memref<2x320000xi32, #tpu.memory_space<hbm>> -> memref<1x128xi32, #tpu.memory_space<hbm>>
        %dma_start3A_212 = tpu.memref_squeeze %dma_start3A_211 : memref<1x128xi32, #tpu.memory_space<hbm>> -> memref<128xi32, #tpu.memory_space<hbm>>
        %dma_start3A_213 = tpu.memref_slice %arg2[%dma_start3A_210, %mul3A_209] : memref<2x320000xi32, #tpu.memory_space<hbm>> -> memref<1x128xi32, #tpu.memory_space<hbm>>
        %dma_start3A_214 = tpu.memref_squeeze %dma_start3A_213 : memref<1x128xi32, #tpu.memory_space<hbm>> -> memref<128xi32, #tpu.memory_space<hbm>>
        tpu.enqueue_dma source(%dma_start3A_214 : memref<128xi32, #tpu.memory_space<hbm>>) target(%arg9 : memref<128xi32, #tpu.memory_space<vmem>>) target_semaphore(%arg19 : memref<!tpu.dma_semaphore, #tpu.memory_space<semaphore_mem>>)
      } else {
      }
      %mul3A_176 = arith.constant 3 : i32
      %mul3A_177 = arith.muli %scan3A_132, %mul3A_176 : i32
      %add3A_178 = arith.constant 2 : i32
      %add3A_179 = arith.addi %mul3A_177, %add3A_178 : i32
      %add3A_180 = arith.constant 2 : i32
      %add3A_181 = arith.addi %add3A_179, %add3A_180 : i32
      %lt3A_182 = arith.constant 78 : i32
      %lt3A_183 = arith.cmpi slt, %add3A_181, %lt3A_182 : i32
      %convert_element_type3A_184 = arith.extui %lt3A_183 : i1 to i32
      %cond3A_185 = arith.constant 0 : i32
      %cond3A_186 = arith.cmpi ne, %convert_element_type3A_184, %cond3A_185 : i32
      scf.if %cond3A_186 {
        %add3A_198 = arith.addi %mul3A_4, %add3A_179 : i32
        %add3A_199 = arith.constant 2 : i32
        %add3A_200 = arith.addi %add3A_198, %add3A_199 : i32
        %mul3A_201 = arith.constant 128 : i32
        %mul3A_202 = arith.muli %add3A_200, %mul3A_201 : i32
        %dma_wait3A_203 = arith.constant 0 : i32
        %dma_wait3A_204 = tpu.memref_slice %arg2[%dma_wait3A_203, %mul3A_202] : memref<2x320000xi32, #tpu.memory_space<hbm>> -> memref<1x128xi32, #tpu.memory_space<hbm>>
        %dma_wait3A_205 = tpu.memref_squeeze %dma_wait3A_204 : memref<1x128xi32, #tpu.memory_space<hbm>> -> memref<128xi32, #tpu.memory_space<hbm>>
        %dma_wait3A_206 = tpu.memref_slice %arg2[%dma_wait3A_203, %mul3A_202] : memref<2x320000xi32, #tpu.memory_space<hbm>> -> memref<1x128xi32, #tpu.memory_space<hbm>>
        %dma_wait3A_207 = tpu.memref_squeeze %dma_wait3A_206 : memref<1x128xi32, #tpu.memory_space<hbm>> -> memref<128xi32, #tpu.memory_space<hbm>>
        tpu.wait_dma2 semaphore(%arg19 : memref<!tpu.dma_semaphore, #tpu.memory_space<semaphore_mem>>) src(%dma_wait3A_207 : memref<128xi32, #tpu.memory_space<hbm>>) dst(%arg6 : memref<128xi32, #tpu.memory_space<vmem>>)
        %mul3A_208 = arith.constant 128 : i32
        %mul3A_209 = arith.muli %add3A_200, %mul3A_208 : i32
        %dma_wait3A_210 = arith.constant 1 : i32
        %dma_wait3A_211 = tpu.memref_slice %arg2[%dma_wait3A_210, %mul3A_209] : memref<2x320000xi32, #tpu.memory_space<hbm>> -> memref<1x128xi32, #tpu.memory_space<hbm>>
        %dma_wait3A_212 = tpu.memref_squeeze %dma_wait3A_211 : memref<1x128xi32, #tpu.memory_space<hbm>> -> memref<128xi32, #tpu.memory_space<hbm>>
        %dma_wait3A_213 = tpu.memref_slice %arg2[%dma_wait3A_210, %mul3A_209] : memref<2x320000xi32, #tpu.memory_space<hbm>> -> memref<1x128xi32, #tpu.memory_space<hbm>>
        %dma_wait3A_214 = tpu.memref_squeeze %dma_wait3A_213 : memref<1x128xi32, #tpu.memory_space<hbm>> -> memref<128xi32, #tpu.memory_space<hbm>>
        tpu.wait_dma2 semaphore(%arg19 : memref<!tpu.dma_semaphore, #tpu.memory_space<semaphore_mem>>) src(%dma_wait3A_214 : memref<128xi32, #tpu.memory_space<hbm>>) dst(%arg9 : memref<128xi32, #tpu.memory_space<vmem>>)
        %dma_start3A_215 = arith.constant 0 : i32
        %dma_start3A_216 = arith.constant 0 : i32
        %dma_start3A_217 = tpu.memref_slice %arg3[%dma_start3A_215, %dma_start3A_216] : memref<10000x128xf32, #tpu.memory_space<hbm>> -> memref<10000x128xf32, #tpu.memory_space<hbm>>
        tpu.enqueue_indirect_dma source(%dma_start3A_217 : memref<10000x128xf32, #tpu.memory_space<hbm>>) target(%arg12 : memref<128x128xf32, #tpu.memory_space<vmem>>) offsets(%arg6 : memref<128xi32, #tpu.memory_space<vmem>>) semaphore(%arg16 : memref<!tpu.dma_semaphore, #tpu.memory_space<semaphore_mem>>)
      } else {
      }
      %dma_wait3A_187 = arith.constant 0 : i32
      %dma_wait3A_188 = arith.constant 0 : i32
      %dma_wait3A_189 = tpu.memref_slice %arg3[%dma_wait3A_187, %dma_wait3A_188] : memref<10000x128xf32, #tpu.memory_space<hbm>> -> memref<10000x128xf32, #tpu.memory_space<hbm>>
      tpu.wait_indirect_dma semaphore(%arg17 : memref<!tpu.dma_semaphore, #tpu.memory_space<semaphore_mem>>) src(%dma_wait3A_189 : memref<10000x128xf32, #tpu.memory_space<hbm>>) dst(%arg13 : memref<128x128xf32, #tpu.memory_space<vmem>>)
      "tpu.region"() ({
        %run_scoped3A = tpu.sem_alloc : memref<!tpu.dma_semaphore, #tpu.memory_space<semaphore_mem>>
        %dma_start3A_198 = arith.constant 0 : i32
        %dma_start3A_199 = arith.constant 0 : i32
        %dma_start3A_200 = tpu.memref_slice %arg14[%dma_start3A_198, %dma_start3A_199] : memref<10000x128xf32, #tpu.memory_space<vmem_shared>> -> memref<10000x128xf32, #tpu.memory_space<vmem_shared>>
        tpu.enqueue_indirect_dma source(%arg13 : memref<128x128xf32, #tpu.memory_space<vmem>>) target(%dma_start3A_200 : memref<10000x128xf32, #tpu.memory_space<vmem_shared>>) offsets(%arg10 : memref<128xi32, #tpu.memory_space<vmem>>) semaphore(%run_scoped3A : memref<!tpu.dma_semaphore, #tpu.memory_space<semaphore_mem>>) {add = true}
        %dma_wait3A_201 = arith.constant 0 : i32
        %dma_wait3A_202 = arith.constant 0 : i32
        %dma_wait3A_203 = tpu.memref_slice %arg14[%dma_wait3A_201, %dma_wait3A_202] : memref<10000x128xf32, #tpu.memory_space<vmem_shared>> -> memref<10000x128xf32, #tpu.memory_space<vmem_shared>>
        tpu.wait_indirect_dma semaphore(%run_scoped3A : memref<!tpu.dma_semaphore, #tpu.memory_space<semaphore_mem>>) src(%arg13 : memref<128x128xf32, #tpu.memory_space<vmem>>) dst(%dma_wait3A_203 : memref<10000x128xf32, #tpu.memory_space<vmem_shared>>)
        tpu.yield
      }) : () -> ()
      %add3A_190 = arith.constant 3 : i32
      %add3A_191 = arith.addi %add3A_179, %add3A_190 : i32
      %lt3A_192 = arith.constant 78 : i32
      %lt3A_193 = arith.cmpi slt, %add3A_191, %lt3A_192 : i32
      %convert_element_type3A_194 = arith.extui %lt3A_193 : i1 to i32
      %cond3A_195 = arith.constant 0 : i32
      %cond3A_196 = arith.cmpi ne, %convert_element_type3A_194, %cond3A_195 : i32
      scf.if %cond3A_196 {
        %add3A_198 = arith.addi %mul3A_4, %add3A_179 : i32
        %add3A_199 = arith.constant 3 : i32
        %add3A_200 = arith.addi %add3A_198, %add3A_199 : i32
        %mul3A_201 = arith.constant 128 : i32
        %mul3A_202 = arith.muli %add3A_200, %mul3A_201 : i32
        %dma_start3A_203 = arith.constant 0 : i32
        %dma_start3A_204 = tpu.memref_slice %arg2[%dma_start3A_203, %mul3A_202] : memref<2x320000xi32, #tpu.memory_space<hbm>> -> memref<1x128xi32, #tpu.memory_space<hbm>>
        %dma_start3A_205 = tpu.memref_squeeze %dma_start3A_204 : memref<1x128xi32, #tpu.memory_space<hbm>> -> memref<128xi32, #tpu.memory_space<hbm>>
        %dma_start3A_206 = tpu.memref_slice %arg2[%dma_start3A_203, %mul3A_202] : memref<2x320000xi32, #tpu.memory_space<hbm>> -> memref<1x128xi32, #tpu.memory_space<hbm>>
        %dma_start3A_207 = tpu.memref_squeeze %dma_start3A_206 : memref<1x128xi32, #tpu.memory_space<hbm>> -> memref<128xi32, #tpu.memory_space<hbm>>
        tpu.enqueue_dma source(%dma_start3A_207 : memref<128xi32, #tpu.memory_space<hbm>>) target(%arg7 : memref<128xi32, #tpu.memory_space<vmem>>) target_semaphore(%arg20 : memref<!tpu.dma_semaphore, #tpu.memory_space<semaphore_mem>>)
        %mul3A_208 = arith.constant 128 : i32
        %mul3A_209 = arith.muli %add3A_200, %mul3A_208 : i32
        %dma_start3A_210 = arith.constant 1 : i32
        %dma_start3A_211 = tpu.memref_slice %arg2[%dma_start3A_210, %mul3A_209] : memref<2x320000xi32, #tpu.memory_space<hbm>> -> memref<1x128xi32, #tpu.memory_space<hbm>>
        %dma_start3A_212 = tpu.memref_squeeze %dma_start3A_211 : memref<1x128xi32, #tpu.memory_space<hbm>> -> memref<128xi32, #tpu.memory_space<hbm>>
        %dma_start3A_213 = tpu.memref_slice %arg2[%dma_start3A_210, %mul3A_209] : memref<2x320000xi32, #tpu.memory_space<hbm>> -> memref<1x128xi32, #tpu.memory_space<hbm>>
        %dma_start3A_214 = tpu.memref_squeeze %dma_start3A_213 : memref<1x128xi32, #tpu.memory_space<hbm>> -> memref<128xi32, #tpu.memory_space<hbm>>
        tpu.enqueue_dma source(%dma_start3A_214 : memref<128xi32, #tpu.memory_space<hbm>>) target(%arg10 : memref<128xi32, #tpu.memory_space<vmem>>) target_semaphore(%arg20 : memref<!tpu.dma_semaphore, #tpu.memory_space<semaphore_mem>>)
      } else {
      }
      %scan3A_197 = arith.constant 0 : i32
      scf.yield %scan3A_197 : i32
    }
    %scan3A_115 = arith.constant 26 : i32
    %lt3A_116 = arith.constant 4 : i32
    %lt3A_117 = arith.cmpi slt, %add3A, %lt3A_116 : i32
    %convert_element_type3A_118 = arith.extui %lt3A_117 : i1 to i32
    %cond3A_119 = arith.constant 0 : i32
    %cond3A_120 = arith.cmpi ne, %convert_element_type3A_118, %cond3A_119 : i32
    scf.if %cond3A_120 {
      %add3A_132 = arith.constant 2496 : i32
      %add3A_133 = arith.addi %add3A_132, %add3A : i32
      %mul3A_134 = arith.constant 128 : i32
      %mul3A_135 = arith.muli %add3A_133, %mul3A_134 : i32
      %dma_start3A_136 = arith.constant 0 : i32
      %dma_start3A_137 = tpu.memref_slice %arg2[%dma_start3A_136, %mul3A_135] : memref<2x320000xi32, #tpu.memory_space<hbm>> -> memref<1x128xi32, #tpu.memory_space<hbm>>
      %dma_start3A_138 = tpu.memref_squeeze %dma_start3A_137 : memref<1x128xi32, #tpu.memory_space<hbm>> -> memref<128xi32, #tpu.memory_space<hbm>>
      %dma_start3A_139 = tpu.memref_slice %arg2[%dma_start3A_136, %mul3A_135] : memref<2x320000xi32, #tpu.memory_space<hbm>> -> memref<1x128xi32, #tpu.memory_space<hbm>>
      %dma_start3A_140 = tpu.memref_squeeze %dma_start3A_139 : memref<1x128xi32, #tpu.memory_space<hbm>> -> memref<128xi32, #tpu.memory_space<hbm>>
      tpu.enqueue_dma source(%dma_start3A_140 : memref<128xi32, #tpu.memory_space<hbm>>) target(%arg5 : memref<128xi32, #tpu.memory_space<vmem>>) target_semaphore(%arg18 : memref<!tpu.dma_semaphore, #tpu.memory_space<semaphore_mem>>)
      %mul3A_141 = arith.constant 128 : i32
      %mul3A_142 = arith.muli %add3A_133, %mul3A_141 : i32
      %dma_start3A_143 = arith.constant 1 : i32
      %dma_start3A_144 = tpu.memref_slice %arg2[%dma_start3A_143, %mul3A_142] : memref<2x320000xi32, #tpu.memory_space<hbm>> -> memref<1x128xi32, #tpu.memory_space<hbm>>
      %dma_start3A_145 = tpu.memref_squeeze %dma_start3A_144 : memref<1x128xi32, #tpu.memory_space<hbm>> -> memref<128xi32, #tpu.memory_space<hbm>>
      %dma_start3A_146 = tpu.memref_slice %arg2[%dma_start3A_143, %mul3A_142] : memref<2x320000xi32, #tpu.memory_space<hbm>> -> memref<1x128xi32, #tpu.memory_space<hbm>>
      %dma_start3A_147 = tpu.memref_squeeze %dma_start3A_146 : memref<1x128xi32, #tpu.memory_space<hbm>> -> memref<128xi32, #tpu.memory_space<hbm>>
      tpu.enqueue_dma source(%dma_start3A_147 : memref<128xi32, #tpu.memory_space<hbm>>) target(%arg8 : memref<128xi32, #tpu.memory_space<vmem>>) target_semaphore(%arg18 : memref<!tpu.dma_semaphore, #tpu.memory_space<semaphore_mem>>)
      %mul3A_148 = arith.constant 128 : i32
      %mul3A_149 = arith.muli %add3A_133, %mul3A_148 : i32
      %dma_wait3A_150 = arith.constant 0 : i32
      %dma_wait3A_151 = tpu.memref_slice %arg2[%dma_wait3A_150, %mul3A_149] : memref<2x320000xi32, #tpu.memory_space<hbm>> -> memref<1x128xi32, #tpu.memory_space<hbm>>
      %dma_wait3A_152 = tpu.memref_squeeze %dma_wait3A_151 : memref<1x128xi32, #tpu.memory_space<hbm>> -> memref<128xi32, #tpu.memory_space<hbm>>
      %dma_wait3A_153 = tpu.memref_slice %arg2[%dma_wait3A_150, %mul3A_149] : memref<2x320000xi32, #tpu.memory_space<hbm>> -> memref<1x128xi32, #tpu.memory_space<hbm>>
      %dma_wait3A_154 = tpu.memref_squeeze %dma_wait3A_153 : memref<1x128xi32, #tpu.memory_space<hbm>> -> memref<128xi32, #tpu.memory_space<hbm>>
      tpu.wait_dma2 semaphore(%arg18 : memref<!tpu.dma_semaphore, #tpu.memory_space<semaphore_mem>>) src(%dma_wait3A_154 : memref<128xi32, #tpu.memory_space<hbm>>) dst(%arg5 : memref<128xi32, #tpu.memory_space<vmem>>)
      %mul3A_155 = arith.constant 128 : i32
      %mul3A_156 = arith.muli %add3A_133, %mul3A_155 : i32
      %dma_wait3A_157 = arith.constant 1 : i32
      %dma_wait3A_158 = tpu.memref_slice %arg2[%dma_wait3A_157, %mul3A_156] : memref<2x320000xi32, #tpu.memory_space<hbm>> -> memref<1x128xi32, #tpu.memory_space<hbm>>
      %dma_wait3A_159 = tpu.memref_squeeze %dma_wait3A_158 : memref<1x128xi32, #tpu.memory_space<hbm>> -> memref<128xi32, #tpu.memory_space<hbm>>
      %dma_wait3A_160 = tpu.memref_slice %arg2[%dma_wait3A_157, %mul3A_156] : memref<2x320000xi32, #tpu.memory_space<hbm>> -> memref<1x128xi32, #tpu.memory_space<hbm>>
      %dma_wait3A_161 = tpu.memref_squeeze %dma_wait3A_160 : memref<1x128xi32, #tpu.memory_space<hbm>> -> memref<128xi32, #tpu.memory_space<hbm>>
      tpu.wait_dma2 semaphore(%arg18 : memref<!tpu.dma_semaphore, #tpu.memory_space<semaphore_mem>>) src(%dma_wait3A_161 : memref<128xi32, #tpu.memory_space<hbm>>) dst(%arg8 : memref<128xi32, #tpu.memory_space<vmem>>)
      %dma_start3A_162 = arith.constant 0 : i32
      %dma_start3A_163 = arith.constant 0 : i32
      %dma_start3A_164 = tpu.memref_slice %arg3[%dma_start3A_162, %dma_start3A_163] : memref<10000x128xf32, #tpu.memory_space<hbm>> -> memref<10000x128xf32, #tpu.memory_space<hbm>>
      tpu.enqueue_indirect_dma source(%dma_start3A_164 : memref<10000x128xf32, #tpu.memory_space<hbm>>) target(%arg11 : memref<128x128xf32, #tpu.memory_space<vmem>>) offsets(%arg5 : memref<128xi32, #tpu.memory_space<vmem>>) semaphore(%arg15 : memref<!tpu.dma_semaphore, #tpu.memory_space<semaphore_mem>>)
      %dma_wait3A_165 = arith.constant 0 : i32
      %dma_wait3A_166 = arith.constant 0 : i32
      %dma_wait3A_167 = tpu.memref_slice %arg3[%dma_wait3A_165, %dma_wait3A_166] : memref<10000x128xf32, #tpu.memory_space<hbm>> -> memref<10000x128xf32, #tpu.memory_space<hbm>>
      tpu.wait_indirect_dma semaphore(%arg15 : memref<!tpu.dma_semaphore, #tpu.memory_space<semaphore_mem>>) src(%dma_wait3A_167 : memref<10000x128xf32, #tpu.memory_space<hbm>>) dst(%arg11 : memref<128x128xf32, #tpu.memory_space<vmem>>)
      "tpu.region"() ({
        %run_scoped3A = tpu.sem_alloc : memref<!tpu.dma_semaphore, #tpu.memory_space<semaphore_mem>>
        %dma_start3A_168 = arith.constant 0 : i32
        %dma_start3A_169 = arith.constant 0 : i32
        %dma_start3A_170 = tpu.memref_slice %arg14[%dma_start3A_168, %dma_start3A_169] : memref<10000x128xf32, #tpu.memory_space<vmem_shared>> -> memref<10000x128xf32, #tpu.memory_space<vmem_shared>>
        tpu.enqueue_indirect_dma source(%arg11 : memref<128x128xf32, #tpu.memory_space<vmem>>) target(%dma_start3A_170 : memref<10000x128xf32, #tpu.memory_space<vmem_shared>>) offsets(%arg8 : memref<128xi32, #tpu.memory_space<vmem>>) semaphore(%run_scoped3A : memref<!tpu.dma_semaphore, #tpu.memory_space<semaphore_mem>>) {add = true}
        %dma_wait3A_171 = arith.constant 0 : i32
        %dma_wait3A_172 = arith.constant 0 : i32
        %dma_wait3A_173 = tpu.memref_slice %arg14[%dma_wait3A_171, %dma_wait3A_172] : memref<10000x128xf32, #tpu.memory_space<vmem_shared>> -> memref<10000x128xf32, #tpu.memory_space<vmem_shared>>
        tpu.wait_indirect_dma semaphore(%run_scoped3A : memref<!tpu.dma_semaphore, #tpu.memory_space<semaphore_mem>>) src(%arg11 : memref<128x128xf32, #tpu.memory_space<vmem>>) dst(%dma_wait3A_173 : memref<10000x128xf32, #tpu.memory_space<vmem_shared>>)
        tpu.yield
      }) : () -> ()
    } else {
    }
    %barrier3A_121 = arith.constant 0 : index
    tpu.barrier barrier_id(%barrier3A_121)
    %lt3A_122 = arith.constant 15 : i32
    %lt3A_123 = arith.cmpi slt, %arg1, %lt3A_122 : i32
    %convert_element_type3A_124 = arith.extui %lt3A_123 : i1 to i32
    %cond3A_125 = arith.constant 0 : i32
    %cond3A_126 = arith.cmpi ne, %convert_element_type3A_124, %cond3A_125 : i32
    scf.if %cond3A_126 {
      "tpu.region"() ({
        %run_scoped3A = tpu.sem_alloc : memref<!tpu.dma_semaphore, #tpu.memory_space<semaphore_mem>>
        %dma_start3A_132 = arith.constant 0 : i32
        %dma_start3A_133 = tpu.memref_slice %arg4[%arg0, %mul3A_2, %dma_start3A_132] : memref<2x10000x128xf32, #tpu.memory_space<hbm>> -> memref<1x632x128xf32, #tpu.memory_space<hbm>>
        %dma_start3A_134 = tpu.memref_squeeze %dma_start3A_133 : memref<1x632x128xf32, #tpu.memory_space<hbm>> -> memref<632x128xf32, #tpu.memory_space<hbm>>
        %dma_start3A_135 = arith.constant 0 : i32
        %dma_start3A_136 = tpu.memref_slice %arg14[%mul3A_2, %dma_start3A_135] : memref<10000x128xf32, #tpu.memory_space<vmem_shared>> -> memref<632x128xf32, #tpu.memory_space<vmem_shared>>
        tpu.enqueue_dma source(%dma_start3A_136 : memref<632x128xf32, #tpu.memory_space<vmem_shared>>) target(%dma_start3A_134 : memref<632x128xf32, #tpu.memory_space<hbm>>) target_semaphore(%run_scoped3A : memref<!tpu.dma_semaphore, #tpu.memory_space<semaphore_mem>>)
        %dma_wait3A_137 = arith.constant 0 : i32
        %dma_wait3A_138 = tpu.memref_slice %arg4[%arg0, %mul3A_2, %dma_wait3A_137] : memref<2x10000x128xf32, #tpu.memory_space<hbm>> -> memref<1x632x128xf32, #tpu.memory_space<hbm>>
        %dma_wait3A_139 = tpu.memref_squeeze %dma_wait3A_138 : memref<1x632x128xf32, #tpu.memory_space<hbm>> -> memref<632x128xf32, #tpu.memory_space<hbm>>
        %dma_wait3A_140 = arith.constant 0 : i32
        %dma_wait3A_141 = tpu.memref_slice %arg14[%mul3A_2, %dma_wait3A_140] : memref<10000x128xf32, #tpu.memory_space<vmem_shared>> -> memref<632x128xf32, #tpu.memory_space<vmem_shared>>
        tpu.wait_dma2 semaphore(%run_scoped3A : memref<!tpu.dma_semaphore, #tpu.memory_space<semaphore_mem>>) src(%dma_wait3A_141 : memref<632x128xf32, #tpu.memory_space<vmem_shared>>) dst(%dma_wait3A_139 : memref<632x128xf32, #tpu.memory_space<hbm>>)
        tpu.yield
      }) : () -> ()
    } else {
    }
    %eq3A_127 = arith.constant 15 : i32
    %eq3A_128 = arith.cmpi eq, %arg1, %eq3A_127 : i32
    %convert_element_type3A_129 = arith.extui %eq3A_128 : i1 to i32
    %cond3A_130 = arith.constant 0 : i32
    %cond3A_131 = arith.cmpi ne, %convert_element_type3A_129, %cond3A_130 : i32
    scf.if %cond3A_131 {
      "tpu.region"() ({
        %run_scoped3A = tpu.sem_alloc : memref<!tpu.dma_semaphore, #tpu.memory_space<semaphore_mem>>
        %dma_start3A_132 = arith.constant 0 : i32
        %dma_start3A_133 = tpu.memref_slice %arg4[%arg0, %mul3A_2, %dma_start3A_132] : memref<2x10000x128xf32, #tpu.memory_space<hbm>> -> memref<1x520x128xf32, #tpu.memory_space<hbm>>
        %dma_start3A_134 = tpu.memref_squeeze %dma_start3A_133 : memref<1x520x128xf32, #tpu.memory_space<hbm>> -> memref<520x128xf32, #tpu.memory_space<hbm>>
        %dma_start3A_135 = arith.constant 0 : i32
        %dma_start3A_136 = tpu.memref_slice %arg14[%mul3A_2, %dma_start3A_135] : memref<10000x128xf32, #tpu.memory_space<vmem_shared>> -> memref<520x128xf32, #tpu.memory_space<vmem_shared>>
        tpu.enqueue_dma source(%dma_start3A_136 : memref<520x128xf32, #tpu.memory_space<vmem_shared>>) target(%dma_start3A_134 : memref<520x128xf32, #tpu.memory_space<hbm>>) target_semaphore(%run_scoped3A : memref<!tpu.dma_semaphore, #tpu.memory_space<semaphore_mem>>)
        %dma_wait3A_137 = arith.constant 0 : i32
        %dma_wait3A_138 = tpu.memref_slice %arg4[%arg0, %mul3A_2, %dma_wait3A_137] : memref<2x10000x128xf32, #tpu.memory_space<hbm>> -> memref<1x520x128xf32, #tpu.memory_space<hbm>>
        %dma_wait3A_139 = tpu.memref_squeeze %dma_wait3A_138 : memref<1x520x128xf32, #tpu.memory_space<hbm>> -> memref<520x128xf32, #tpu.memory_space<hbm>>
        %dma_wait3A_140 = arith.constant 0 : i32
        %dma_wait3A_141 = tpu.memref_slice %arg14[%mul3A_2, %dma_wait3A_140] : memref<10000x128xf32, #tpu.memory_space<vmem_shared>> -> memref<520x128xf32, #tpu.memory_space<vmem_shared>>
        tpu.wait_dma2 semaphore(%run_scoped3A : memref<!tpu.dma_semaphore, #tpu.memory_space<semaphore_mem>>) src(%dma_wait3A_141 : memref<520x128xf32, #tpu.memory_space<vmem_shared>>) dst(%dma_wait3A_139 : memref<520x128xf32, #tpu.memory_space<hbm>>)
        tpu.yield
      }) : () -> ()
    } else {
    }
    return
  }
}

#map = affine_map<(d0, d1) -> (0, 0)>
#map1 = affine_map<(d0, d1) -> (0)>
module attributes {stable_mosaic.version = 14 : i64} {
  func.func @_deg_kernel(%arg0: i32, %arg1: i32, %arg2: memref<2x320000xi32, #tpu.memory_space<hbm>>, %arg3: memref<10000xf32, #tpu.memory_space<hbm>>, %arg4: memref<2x10000xf32, #tpu.memory_space<hbm>>, %arg5: memref<79x128xi32, #tpu.memory_space<vmem>>, %arg6: memref<128xf32, #tpu.memory_space<vmem>>, %arg7: memref<10000xf32, #tpu.memory_space<vmem_shared>>, %arg8: memref<!tpu.dma_semaphore, #tpu.memory_space<semaphore_mem>>, %arg9: memref<!tpu.dma_semaphore, #tpu.memory_space<semaphore_mem>>) attributes {dimension_semantics = [#tpu.dimension_semantics<core_parallel>, #tpu.dimension_semantics<subcore_parallel>], iteration_bounds = array<i64: 2, 16>, scalar_prefetch = 0 : i64, scratch_operands = 5 : i64, tpu.core_type = #tpu.core_type<sc_vector_subcore>, window_params = [{transform_indices = #map}, {transform_indices = #map1}, {transform_indices = #map}]} {
    %mul3A = arith.constant 2 : i32
    %mul3A_0 = arith.muli %arg1, %mul3A : i32
    %add3A = arith.addi %mul3A_0, %arg0 : i32
    %mul3A_1 = arith.constant 78 : i32
    %mul3A_2 = arith.muli %add3A, %mul3A_1 : i32
    %eq3A = arith.constant 0 : i32
    %eq3A_3 = arith.cmpi eq, %arg1, %eq3A : i32
    %convert_element_type3A = arith.extui %eq3A_3 : i1 to i32
    %cond3A = arith.constant 0 : i32
    %cond3A_4 = arith.cmpi ne, %convert_element_type3A, %cond3A : i32
    scf.if %cond3A_4 {
      "tpu.region"() ({
        %run_scoped3A = tpu.sem_alloc : memref<!tpu.dma_semaphore, #tpu.memory_space<semaphore_mem>>
        tpu.enqueue_dma source(%arg3 : memref<10000xf32, #tpu.memory_space<hbm>>) target(%arg7 : memref<10000xf32, #tpu.memory_space<vmem_shared>>) target_semaphore(%run_scoped3A : memref<!tpu.dma_semaphore, #tpu.memory_space<semaphore_mem>>)
        tpu.wait_dma2 semaphore(%run_scoped3A : memref<!tpu.dma_semaphore, #tpu.memory_space<semaphore_mem>>) src(%arg3 : memref<10000xf32, #tpu.memory_space<hbm>>) dst(%arg7 : memref<10000xf32, #tpu.memory_space<vmem_shared>>)
        tpu.yield
      }) : () -> ()
    } else {
    }
    %scan3A = arith.constant 0 : i32
    %scan3A_5 = arith.constant 0 : i32
    %scan3A_6 = arith.constant 78 : i32
    %scan3A_7 = arith.addi %scan3A_5, %scan3A_6 : i32
    %scan3A_8 = arith.constant 1 : i32
    %scan3A_9 = scf.for %scan3A_103 = %scan3A_5 to %scan3A_7 step %scan3A_8 iter_args(%scan3A_104 = %scan3A) -> (i32)  : i32 {
      %add3A_105 = arith.addi %mul3A_2, %scan3A_103 : i32
      %mul3A_106 = arith.constant 128 : i32
      %mul3A_107 = arith.muli %add3A_105, %mul3A_106 : i32
      %dma_start3A = arith.constant 1 : i32
      %dma_start3A_108 = arith.constant 0 : i32
      %dma_start3A_109 = tpu.memref_slice %arg5[%scan3A_103, %dma_start3A_108] : memref<79x128xi32, #tpu.memory_space<vmem>> -> memref<1x128xi32, #tpu.memory_space<vmem>>
      %dma_start3A_110 = tpu.memref_squeeze %dma_start3A_109 : memref<1x128xi32, #tpu.memory_space<vmem>> -> memref<128xi32, #tpu.memory_space<vmem>>
      %dma_start3A_111 = tpu.memref_slice %arg2[%dma_start3A, %mul3A_107] : memref<2x320000xi32, #tpu.memory_space<hbm>> -> memref<1x128xi32, #tpu.memory_space<hbm>>
      %dma_start3A_112 = tpu.memref_squeeze %dma_start3A_111 : memref<1x128xi32, #tpu.memory_space<hbm>> -> memref<128xi32, #tpu.memory_space<hbm>>
      %dma_start3A_113 = arith.constant 0 : i32
      %dma_start3A_114 = tpu.memref_slice %arg5[%scan3A_103, %dma_start3A_113] : memref<79x128xi32, #tpu.memory_space<vmem>> -> memref<1x128xi32, #tpu.memory_space<vmem>>
      %dma_start3A_115 = tpu.memref_squeeze %dma_start3A_114 : memref<1x128xi32, #tpu.memory_space<vmem>> -> memref<128xi32, #tpu.memory_space<vmem>>
      %dma_start3A_116 = tpu.memref_slice %arg2[%dma_start3A, %mul3A_107] : memref<2x320000xi32, #tpu.memory_space<hbm>> -> memref<1x128xi32, #tpu.memory_space<hbm>>
      %dma_start3A_117 = tpu.memref_squeeze %dma_start3A_116 : memref<1x128xi32, #tpu.memory_space<hbm>> -> memref<128xi32, #tpu.memory_space<hbm>>
      tpu.enqueue_dma source(%dma_start3A_117 : memref<128xi32, #tpu.memory_space<hbm>>) target(%dma_start3A_115 : memref<128xi32, #tpu.memory_space<vmem>>) target_semaphore(%arg8 : memref<!tpu.dma_semaphore, #tpu.memory_space<semaphore_mem>>)
      %scan3A_118 = arith.constant 0 : i32
      scf.yield %scan3A_118 : i32
    }
    %scan3A_10 = arith.constant 78 : i32
    %lt3A = arith.constant 4 : i32
    %lt3A_11 = arith.cmpi slt, %add3A, %lt3A : i32
    %convert_element_type3A_12 = arith.extui %lt3A_11 : i1 to i32
    %cond3A_13 = arith.constant 0 : i32
    %cond3A_14 = arith.cmpi ne, %convert_element_type3A_12, %cond3A_13 : i32
    scf.if %cond3A_14 {
      %add3A_103 = arith.constant 2496 : i32
      %add3A_104 = arith.addi %add3A_103, %add3A : i32
      %mul3A_105 = arith.constant 128 : i32
      %mul3A_106 = arith.muli %add3A_104, %mul3A_105 : i32
      %dma_start3A = arith.constant 1 : i32
      %dma_start3A_107 = arith.constant 78 : i32
      %dma_start3A_108 = arith.constant 0 : i32
      %dma_start3A_109 = tpu.memref_slice %arg5[%dma_start3A_107, %dma_start3A_108] : memref<79x128xi32, #tpu.memory_space<vmem>> -> memref<1x128xi32, #tpu.memory_space<vmem>>
      %dma_start3A_110 = tpu.memref_squeeze %dma_start3A_109 : memref<1x128xi32, #tpu.memory_space<vmem>> -> memref<128xi32, #tpu.memory_space<vmem>>
      %dma_start3A_111 = tpu.memref_slice %arg2[%dma_start3A, %mul3A_106] : memref<2x320000xi32, #tpu.memory_space<hbm>> -> memref<1x128xi32, #tpu.memory_space<hbm>>
      %dma_start3A_112 = tpu.memref_squeeze %dma_start3A_111 : memref<1x128xi32, #tpu.memory_space<hbm>> -> memref<128xi32, #tpu.memory_space<hbm>>
      %dma_start3A_113 = arith.constant 0 : i32
      %dma_start3A_114 = tpu.memref_slice %arg5[%dma_start3A_107, %dma_start3A_113] : memref<79x128xi32, #tpu.memory_space<vmem>> -> memref<1x128xi32, #tpu.memory_space<vmem>>
      %dma_start3A_115 = tpu.memref_squeeze %dma_start3A_114 : memref<1x128xi32, #tpu.memory_space<vmem>> -> memref<128xi32, #tpu.memory_space<vmem>>
      %dma_start3A_116 = tpu.memref_slice %arg2[%dma_start3A, %mul3A_106] : memref<2x320000xi32, #tpu.memory_space<hbm>> -> memref<1x128xi32, #tpu.memory_space<hbm>>
      %dma_start3A_117 = tpu.memref_squeeze %dma_start3A_116 : memref<1x128xi32, #tpu.memory_space<hbm>> -> memref<128xi32, #tpu.memory_space<hbm>>
      tpu.enqueue_dma source(%dma_start3A_117 : memref<128xi32, #tpu.memory_space<hbm>>) target(%dma_start3A_115 : memref<128xi32, #tpu.memory_space<vmem>>) target_semaphore(%arg8 : memref<!tpu.dma_semaphore, #tpu.memory_space<semaphore_mem>>)
    } else {
    }
    %broadcast_in_dim3A = arith.constant 1.000000e+00 : f32
    %broadcast_in_dim3A_15 = vector.broadcast %broadcast_in_dim3A : f32 to vector<16xf32>
    %swap3A = arith.constant 0 : index
    %swap3A_16 = tpu.vector_load %arg6[%swap3A] {strides = array<i32>} : memref<128xf32, #tpu.memory_space<vmem>>, vector<16xf32>,
    %swap3A_17 = vector.shape_cast %swap3A_16 : vector<16xf32> to vector<16xf32>
    %swap3A_18 = vector.shape_cast %broadcast_in_dim3A_15 : vector<16xf32> to vector<16xf32>
    tpu.vector_store %arg6[%swap3A], %swap3A_18 {strides = array<i32>} : memref<128xf32, #tpu.memory_space<vmem>>, vector<16xf32>,
    %broadcast_in_dim3A_19 = arith.constant 1.000000e+00 : f32
    %broadcast_in_dim3A_20 = vector.broadcast %broadcast_in_dim3A_19 : f32 to vector<16xf32>
    %swap3A_21 = arith.constant 16 : index
    %swap3A_22 = tpu.vector_load %arg6[%swap3A_21] {strides = array<i32>} : memref<128xf32, #tpu.memory_space<vmem>>, vector<16xf32>,
    %swap3A_23 = vector.shape_cast %swap3A_22 : vector<16xf32> to vector<16xf32>
    %swap3A_24 = vector.shape_cast %broadcast_in_dim3A_20 : vector<16xf32> to vector<16xf32>
    tpu.vector_store %arg6[%swap3A_21], %swap3A_24 {strides = array<i32>} : memref<128xf32, #tpu.memory_space<vmem>>, vector<16xf32>,
    %broadcast_in_dim3A_25 = arith.constant 1.000000e+00 : f32
    %broadcast_in_dim3A_26 = vector.broadcast %broadcast_in_dim3A_25 : f32 to vector<16xf32>
    %swap3A_27 = arith.constant 32 : index
    %swap3A_28 = tpu.vector_load %arg6[%swap3A_27] {strides = array<i32>} : memref<128xf32, #tpu.memory_space<vmem>>, vector<16xf32>,
    %swap3A_29 = vector.shape_cast %swap3A_28 : vector<16xf32> to vector<16xf32>
    %swap3A_30 = vector.shape_cast %broadcast_in_dim3A_26 : vector<16xf32> to vector<16xf32>
    tpu.vector_store %arg6[%swap3A_27], %swap3A_30 {strides = array<i32>} : memref<128xf32, #tpu.memory_space<vmem>>, vector<16xf32>,
    %broadcast_in_dim3A_31 = arith.constant 1.000000e+00 : f32
    %broadcast_in_dim3A_32 = vector.broadcast %broadcast_in_dim3A_31 : f32 to vector<16xf32>
    %swap3A_33 = arith.constant 48 : index
    %swap3A_34 = tpu.vector_load %arg6[%swap3A_33] {strides = array<i32>} : memref<128xf32, #tpu.memory_space<vmem>>, vector<16xf32>,
    %swap3A_35 = vector.shape_cast %swap3A_34 : vector<16xf32> to vector<16xf32>
    %swap3A_36 = vector.shape_cast %broadcast_in_dim3A_32 : vector<16xf32> to vector<16xf32>
    tpu.vector_store %arg6[%swap3A_33], %swap3A_36 {strides = array<i32>} : memref<128xf32, #tpu.memory_space<vmem>>, vector<16xf32>,
    %broadcast_in_dim3A_37 = arith.constant 1.000000e+00 : f32
    %broadcast_in_dim3A_38 = vector.broadcast %broadcast_in_dim3A_37 : f32 to vector<16xf32>
    %swap3A_39 = arith.constant 64 : index
    %swap3A_40 = tpu.vector_load %arg6[%swap3A_39] {strides = array<i32>} : memref<128xf32, #tpu.memory_space<vmem>>, vector<16xf32>,
    %swap3A_41 = vector.shape_cast %swap3A_40 : vector<16xf32> to vector<16xf32>
    %swap3A_42 = vector.shape_cast %broadcast_in_dim3A_38 : vector<16xf32> to vector<16xf32>
    tpu.vector_store %arg6[%swap3A_39], %swap3A_42 {strides = array<i32>} : memref<128xf32, #tpu.memory_space<vmem>>, vector<16xf32>,
    %broadcast_in_dim3A_43 = arith.constant 1.000000e+00 : f32
    %broadcast_in_dim3A_44 = vector.broadcast %broadcast_in_dim3A_43 : f32 to vector<16xf32>
    %swap3A_45 = arith.constant 80 : index
    %swap3A_46 = tpu.vector_load %arg6[%swap3A_45] {strides = array<i32>} : memref<128xf32, #tpu.memory_space<vmem>>, vector<16xf32>,
    %swap3A_47 = vector.shape_cast %swap3A_46 : vector<16xf32> to vector<16xf32>
    %swap3A_48 = vector.shape_cast %broadcast_in_dim3A_44 : vector<16xf32> to vector<16xf32>
    tpu.vector_store %arg6[%swap3A_45], %swap3A_48 {strides = array<i32>} : memref<128xf32, #tpu.memory_space<vmem>>, vector<16xf32>,
    %broadcast_in_dim3A_49 = arith.constant 1.000000e+00 : f32
    %broadcast_in_dim3A_50 = vector.broadcast %broadcast_in_dim3A_49 : f32 to vector<16xf32>
    %swap3A_51 = arith.constant 96 : index
    %swap3A_52 = tpu.vector_load %arg6[%swap3A_51] {strides = array<i32>} : memref<128xf32, #tpu.memory_space<vmem>>, vector<16xf32>,
    %swap3A_53 = vector.shape_cast %swap3A_52 : vector<16xf32> to vector<16xf32>
    %swap3A_54 = vector.shape_cast %broadcast_in_dim3A_50 : vector<16xf32> to vector<16xf32>
    tpu.vector_store %arg6[%swap3A_51], %swap3A_54 {strides = array<i32>} : memref<128xf32, #tpu.memory_space<vmem>>, vector<16xf32>,
    %broadcast_in_dim3A_55 = arith.constant 1.000000e+00 : f32
    %broadcast_in_dim3A_56 = vector.broadcast %broadcast_in_dim3A_55 : f32 to vector<16xf32>
    %swap3A_57 = arith.constant 112 : index
    %swap3A_58 = tpu.vector_load %arg6[%swap3A_57] {strides = array<i32>} : memref<128xf32, #tpu.memory_space<vmem>>, vector<16xf32>,
    %swap3A_59 = vector.shape_cast %swap3A_58 : vector<16xf32> to vector<16xf32>
    %swap3A_60 = vector.shape_cast %broadcast_in_dim3A_56 : vector<16xf32> to vector<16xf32>
    tpu.vector_store %arg6[%swap3A_57], %swap3A_60 {strides = array<i32>} : memref<128xf32, #tpu.memory_space<vmem>>, vector<16xf32>,
    %scan3A_61 = arith.constant 0 : i32
    %scan3A_62 = arith.constant 0 : i32
    %scan3A_63 = arith.constant 78 : i32
    %scan3A_64 = arith.addi %scan3A_62, %scan3A_63 : i32
    %scan3A_65 = arith.constant 1 : i32
    %scan3A_66 = scf.for %scan3A_103 = %scan3A_62 to %scan3A_64 step %scan3A_65 iter_args(%scan3A_104 = %scan3A_61) -> (i32)  : i32 {
      %add3A_105 = arith.addi %mul3A_2, %scan3A_103 : i32
      %mul3A_106 = arith.constant 128 : i32
      %mul3A_107 = arith.muli %add3A_105, %mul3A_106 : i32
      %dma_wait3A = arith.constant 1 : i32
      %dma_wait3A_108 = arith.constant 0 : i32
      %dma_wait3A_109 = tpu.memref_slice %arg5[%scan3A_103, %dma_wait3A_108] : memref<79x128xi32, #tpu.memory_space<vmem>> -> memref<1x128xi32, #tpu.memory_space<vmem>>
      %dma_wait3A_110 = tpu.memref_squeeze %dma_wait3A_109 : memref<1x128xi32, #tpu.memory_space<vmem>> -> memref<128xi32, #tpu.memory_space<vmem>>
      %dma_wait3A_111 = tpu.memref_slice %arg2[%dma_wait3A, %mul3A_107] : memref<2x320000xi32, #tpu.memory_space<hbm>> -> memref<1x128xi32, #tpu.memory_space<hbm>>
      %dma_wait3A_112 = tpu.memref_squeeze %dma_wait3A_111 : memref<1x128xi32, #tpu.memory_space<hbm>> -> memref<128xi32, #tpu.memory_space<hbm>>
      %dma_wait3A_113 = arith.constant 0 : i32
      %dma_wait3A_114 = tpu.memref_slice %arg5[%scan3A_103, %dma_wait3A_113] : memref<79x128xi32, #tpu.memory_space<vmem>> -> memref<1x128xi32, #tpu.memory_space<vmem>>
      %dma_wait3A_115 = tpu.memref_squeeze %dma_wait3A_114 : memref<1x128xi32, #tpu.memory_space<vmem>> -> memref<128xi32, #tpu.memory_space<vmem>>
      %dma_wait3A_116 = tpu.memref_slice %arg2[%dma_wait3A, %mul3A_107] : memref<2x320000xi32, #tpu.memory_space<hbm>> -> memref<1x128xi32, #tpu.memory_space<hbm>>
      %dma_wait3A_117 = tpu.memref_squeeze %dma_wait3A_116 : memref<1x128xi32, #tpu.memory_space<hbm>> -> memref<128xi32, #tpu.memory_space<hbm>>
      tpu.wait_dma2 semaphore(%arg8 : memref<!tpu.dma_semaphore, #tpu.memory_space<semaphore_mem>>) src(%dma_wait3A_117 : memref<128xi32, #tpu.memory_space<hbm>>) dst(%dma_wait3A_115 : memref<128xi32, #tpu.memory_space<vmem>>)
      %scan3A_118 = arith.constant 0 : i32
      scf.yield %scan3A_118 : i32
    }
    %scan3A_67 = arith.constant 78 : i32
    %lt3A_68 = arith.constant 4 : i32
    %lt3A_69 = arith.cmpi slt, %add3A, %lt3A_68 : i32
    %convert_element_type3A_70 = arith.extui %lt3A_69 : i1 to i32
    %cond3A_71 = arith.constant 0 : i32
    %cond3A_72 = arith.cmpi ne, %convert_element_type3A_70, %cond3A_71 : i32
    scf.if %cond3A_72 {
      %add3A_103 = arith.constant 2496 : i32
      %add3A_104 = arith.addi %add3A_103, %add3A : i32
      %mul3A_105 = arith.constant 128 : i32
      %mul3A_106 = arith.muli %add3A_104, %mul3A_105 : i32
      %dma_wait3A = arith.constant 1 : i32
      %dma_wait3A_107 = arith.constant 78 : i32
      %dma_wait3A_108 = arith.constant 0 : i32
      %dma_wait3A_109 = tpu.memref_slice %arg5[%dma_wait3A_107, %dma_wait3A_108] : memref<79x128xi32, #tpu.memory_space<vmem>> -> memref<1x128xi32, #tpu.memory_space<vmem>>
      %dma_wait3A_110 = tpu.memref_squeeze %dma_wait3A_109 : memref<1x128xi32, #tpu.memory_space<vmem>> -> memref<128xi32, #tpu.memory_space<vmem>>
      %dma_wait3A_111 = tpu.memref_slice %arg2[%dma_wait3A, %mul3A_106] : memref<2x320000xi32, #tpu.memory_space<hbm>> -> memref<1x128xi32, #tpu.memory_space<hbm>>
      %dma_wait3A_112 = tpu.memref_squeeze %dma_wait3A_111 : memref<1x128xi32, #tpu.memory_space<hbm>> -> memref<128xi32, #tpu.memory_space<hbm>>
      %dma_wait3A_113 = arith.constant 0 : i32
      %dma_wait3A_114 = tpu.memref_slice %arg5[%dma_wait3A_107, %dma_wait3A_113] : memref<79x128xi32, #tpu.memory_space<vmem>> -> memref<1x128xi32, #tpu.memory_space<vmem>>
      %dma_wait3A_115 = tpu.memref_squeeze %dma_wait3A_114 : memref<1x128xi32, #tpu.memory_space<vmem>> -> memref<128xi32, #tpu.memory_space<vmem>>
      %dma_wait3A_116 = tpu.memref_slice %arg2[%dma_wait3A, %mul3A_106] : memref<2x320000xi32, #tpu.memory_space<hbm>> -> memref<1x128xi32, #tpu.memory_space<hbm>>
      %dma_wait3A_117 = tpu.memref_squeeze %dma_wait3A_116 : memref<1x128xi32, #tpu.memory_space<hbm>> -> memref<128xi32, #tpu.memory_space<hbm>>
      tpu.wait_dma2 semaphore(%arg8 : memref<!tpu.dma_semaphore, #tpu.memory_space<semaphore_mem>>) src(%dma_wait3A_117 : memref<128xi32, #tpu.memory_space<hbm>>) dst(%dma_wait3A_115 : memref<128xi32, #tpu.memory_space<vmem>>)
    } else {
    }
    %barrier3A = arith.constant 0 : index
    tpu.barrier barrier_id(%barrier3A)
    %scan3A_73 = arith.constant 0 : i32
    %scan3A_74 = arith.constant 0 : i32
    %scan3A_75 = arith.constant 78 : i32
    %scan3A_76 = arith.addi %scan3A_74, %scan3A_75 : i32
    %scan3A_77 = arith.constant 1 : i32
    %scan3A_78 = scf.for %scan3A_103 = %scan3A_74 to %scan3A_76 step %scan3A_77 iter_args(%scan3A_104 = %scan3A_73) -> (i32)  : i32 {
      %dma_start3A = arith.constant 0 : i32
      %dma_start3A_105 = tpu.memref_slice %arg5[%scan3A_103, %dma_start3A] : memref<79x128xi32, #tpu.memory_space<vmem>> -> memref<1x128xi32, #tpu.memory_space<vmem>>
      %dma_start3A_106 = tpu.memref_squeeze %dma_start3A_105 : memref<1x128xi32, #tpu.memory_space<vmem>> -> memref<128xi32, #tpu.memory_space<vmem>>
      %dma_start3A_107 = arith.constant 0 : i32
      %dma_start3A_108 = tpu.memref_slice %arg7[%dma_start3A_107] : memref<10000xf32, #tpu.memory_space<vmem_shared>> -> memref<10000xf32, #tpu.memory_space<vmem_shared>>
      tpu.enqueue_indirect_dma source(%arg6 : memref<128xf32, #tpu.memory_space<vmem>>) target(%dma_start3A_108 : memref<10000xf32, #tpu.memory_space<vmem_shared>>) offsets(%dma_start3A_106 : memref<128xi32, #tpu.memory_space<vmem>>) semaphore(%arg9 : memref<!tpu.dma_semaphore, #tpu.memory_space<semaphore_mem>>) {add = true}
      %scan3A_109 = arith.constant 0 : i32
      scf.yield %scan3A_109 : i32
    }
    %scan3A_79 = arith.constant 78 : i32
    %lt3A_80 = arith.constant 4 : i32
    %lt3A_81 = arith.cmpi slt, %add3A, %lt3A_80 : i32
    %convert_element_type3A_82 = arith.extui %lt3A_81 : i1 to i32
    %cond3A_83 = arith.constant 0 : i32
    %cond3A_84 = arith.cmpi ne, %convert_element_type3A_82, %cond3A_83 : i32
    scf.if %cond3A_84 {
      %dma_start3A = arith.constant 78 : i32
      %dma_start3A_103 = arith.constant 0 : i32
      %dma_start3A_104 = tpu.memref_slice %arg5[%dma_start3A, %dma_start3A_103] : memref<79x128xi32, #tpu.memory_space<vmem>> -> memref<1x128xi32, #tpu.memory_space<vmem>>
      %dma_start3A_105 = tpu.memref_squeeze %dma_start3A_104 : memref<1x128xi32, #tpu.memory_space<vmem>> -> memref<128xi32, #tpu.memory_space<vmem>>
      %dma_start3A_106 = arith.constant 0 : i32
      %dma_start3A_107 = tpu.memref_slice %arg7[%dma_start3A_106] : memref<10000xf32, #tpu.memory_space<vmem_shared>> -> memref<10000xf32, #tpu.memory_space<vmem_shared>>
      tpu.enqueue_indirect_dma source(%arg6 : memref<128xf32, #tpu.memory_space<vmem>>) target(%dma_start3A_107 : memref<10000xf32, #tpu.memory_space<vmem_shared>>) offsets(%dma_start3A_105 : memref<128xi32, #tpu.memory_space<vmem>>) semaphore(%arg9 : memref<!tpu.dma_semaphore, #tpu.memory_space<semaphore_mem>>) {add = true}
    } else {
    }
    %scan3A_85 = arith.constant 0 : i32
    %scan3A_86 = arith.constant 0 : i32
    %scan3A_87 = arith.constant 78 : i32
    %scan3A_88 = arith.addi %scan3A_86, %scan3A_87 : i32
    %scan3A_89 = arith.constant 1 : i32
    %scan3A_90 = scf.for %scan3A_103 = %scan3A_86 to %scan3A_88 step %scan3A_89 iter_args(%scan3A_104 = %scan3A_85) -> (i32)  : i32 {
      %dma_wait3A = arith.constant 0 : i32
      %dma_wait3A_105 = tpu.memref_slice %arg5[%scan3A_103, %dma_wait3A] : memref<79x128xi32, #tpu.memory_space<vmem>> -> memref<1x128xi32, #tpu.memory_space<vmem>>
      %dma_wait3A_106 = tpu.memref_squeeze %dma_wait3A_105 : memref<1x128xi32, #tpu.memory_space<vmem>> -> memref<128xi32, #tpu.memory_space<vmem>>
      %dma_wait3A_107 = arith.constant 0 : i32
      %dma_wait3A_108 = tpu.memref_slice %arg7[%dma_wait3A_107] : memref<10000xf32, #tpu.memory_space<vmem_shared>> -> memref<10000xf32, #tpu.memory_space<vmem_shared>>
      tpu.wait_indirect_dma semaphore(%arg9 : memref<!tpu.dma_semaphore, #tpu.memory_space<semaphore_mem>>) src(%arg6 : memref<128xf32, #tpu.memory_space<vmem>>) dst(%dma_wait3A_108 : memref<10000xf32, #tpu.memory_space<vmem_shared>>)
      %scan3A_109 = arith.constant 0 : i32
      scf.yield %scan3A_109 : i32
    }
    %scan3A_91 = arith.constant 78 : i32
    %lt3A_92 = arith.constant 4 : i32
    %lt3A_93 = arith.cmpi slt, %add3A, %lt3A_92 : i32
    %convert_element_type3A_94 = arith.extui %lt3A_93 : i1 to i32
    %cond3A_95 = arith.constant 0 : i32
    %cond3A_96 = arith.cmpi ne, %convert_element_type3A_94, %cond3A_95 : i32
    scf.if %cond3A_96 {
      %dma_wait3A = arith.constant 78 : i32
      %dma_wait3A_103 = arith.constant 0 : i32
      %dma_wait3A_104 = tpu.memref_slice %arg5[%dma_wait3A, %dma_wait3A_103] : memref<79x128xi32, #tpu.memory_space<vmem>> -> memref<1x128xi32, #tpu.memory_space<vmem>>
      %dma_wait3A_105 = tpu.memref_squeeze %dma_wait3A_104 : memref<1x128xi32, #tpu.memory_space<vmem>> -> memref<128xi32, #tpu.memory_space<vmem>>
      %dma_wait3A_106 = arith.constant 0 : i32
      %dma_wait3A_107 = tpu.memref_slice %arg7[%dma_wait3A_106] : memref<10000xf32, #tpu.memory_space<vmem_shared>> -> memref<10000xf32, #tpu.memory_space<vmem_shared>>
      tpu.wait_indirect_dma semaphore(%arg9 : memref<!tpu.dma_semaphore, #tpu.memory_space<semaphore_mem>>) src(%arg6 : memref<128xf32, #tpu.memory_space<vmem>>) dst(%dma_wait3A_107 : memref<10000xf32, #tpu.memory_space<vmem_shared>>)
    } else {
    }
    %barrier3A_97 = arith.constant 0 : index
    tpu.barrier barrier_id(%barrier3A_97)
    %eq3A_98 = arith.constant 0 : i32
    %eq3A_99 = arith.cmpi eq, %arg1, %eq3A_98 : i32
    %convert_element_type3A_100 = arith.extui %eq3A_99 : i1 to i32
    %cond3A_101 = arith.constant 0 : i32
    %cond3A_102 = arith.cmpi ne, %convert_element_type3A_100, %cond3A_101 : i32
    scf.if %cond3A_102 {
      "tpu.region"() ({
        %run_scoped3A = tpu.sem_alloc : memref<!tpu.dma_semaphore, #tpu.memory_space<semaphore_mem>>
        %dma_start3A = arith.constant 0 : i32
        %dma_start3A_103 = tpu.memref_slice %arg4[%arg0, %dma_start3A] : memref<2x10000xf32, #tpu.memory_space<hbm>> -> memref<1x10000xf32, #tpu.memory_space<hbm>>
        %dma_start3A_104 = tpu.memref_squeeze %dma_start3A_103 : memref<1x10000xf32, #tpu.memory_space<hbm>> -> memref<10000xf32, #tpu.memory_space<hbm>>
        tpu.enqueue_dma source(%arg7 : memref<10000xf32, #tpu.memory_space<vmem_shared>>) target(%dma_start3A_104 : memref<10000xf32, #tpu.memory_space<hbm>>) target_semaphore(%run_scoped3A : memref<!tpu.dma_semaphore, #tpu.memory_space<semaphore_mem>>)
        %dma_wait3A = arith.constant 0 : i32
        %dma_wait3A_105 = tpu.memref_slice %arg4[%arg0, %dma_wait3A] : memref<2x10000xf32, #tpu.memory_space<hbm>> -> memref<1x10000xf32, #tpu.memory_space<hbm>>
        %dma_wait3A_106 = tpu.memref_squeeze %dma_wait3A_105 : memref<1x10000xf32, #tpu.memory_space<hbm>> -> memref<10000xf32, #tpu.memory_space<hbm>>
        tpu.wait_dma2 semaphore(%run_scoped3A : memref<!tpu.dma_semaphore, #tpu.memory_space<semaphore_mem>>) src(%arg7 : memref<10000xf32, #tpu.memory_space<vmem_shared>>) dst(%dma_wait3A_106 : memref<10000xf32, #tpu.memory_space<hbm>>)
        tpu.yield
      }) : () -> ()
    } else {
    }
    return
  }
}

module attributes {stable_mosaic.version = 14 : i64} {
  func.func @_out_body(%arg0: i32, %arg1: memref<2x2000x1xf32, #tpu.memory_space<vmem>>, %arg2: memref<2x2000x128xf32, #tpu.memory_space<vmem>>, %arg3: memref<2000x128xf32, #tpu.memory_space<vmem>>, %arg4: memref<1x128xf32, #tpu.memory_space<vmem>>, %arg5: memref<2000x128xf32, #tpu.memory_space<vmem>>) attributes {dimension_semantics = [#tpu.dimension_semantics<arbitrary>], iteration_bounds = array<i64: 5>, scalar_prefetch = 0 : i64, scratch_operands = 0 : i64, tpu.core_type = #tpu.core_type<tc>, window_params = [{transform_indices = @transform_0, window_bounds = array<i64: 2, 2000, 1>}, {transform_indices = @transform_1, window_bounds = array<i64: 2, 2000, 128>}, {transform_indices = @transform_2, window_bounds = array<i64: 2000, 128>}, {pipeline_mode = #tpu.pipeline_mode<synchronous>, transform_indices = @transform_3, window_bounds = array<i64: 1, 128>}, {transform_indices = @transform_4, window_bounds = array<i64: 2000, 128>}]} {
    %get3A = arith.constant 0 : index
    %get3A_0 = arith.constant 0 : index
    %get3A_1 = arith.constant 0 : index
    %get3A_2 = vector.load %arg1[%get3A, %get3A_0, %get3A_1] : memref<2x2000x1xf32, #tpu.memory_space<vmem>>, vector<1x2000x1xf32>
    %get3A_3 = vector.shape_cast %get3A_2 : vector<1x2000x1xf32> to vector<2000xf32>
    %get3A_4 = arith.constant 1 : index
    %get3A_5 = arith.constant 0 : index
    %get3A_6 = arith.constant 0 : index
    %get3A_7 = vector.load %arg1[%get3A_4, %get3A_5, %get3A_6] : memref<2x2000x1xf32, #tpu.memory_space<vmem>>, vector<1x2000x1xf32>
    %get3A_8 = vector.shape_cast %get3A_7 : vector<1x2000x1xf32> to vector<2000xf32>
    %add3A = arith.addf %get3A_3, %get3A_8 : vector<2000xf32>
    %add3A_9 = arith.constant 1.000000e+00 : f32
    %add3A_10 = vector.broadcast %add3A_9 : f32 to vector<2000xf32>
    %add3A_11 = arith.addf %add3A, %add3A_10 : vector<2000xf32>
    %rsqrt3A = math.rsqrt %add3A_11 : vector<2000xf32>
    %get3A_12 = arith.constant 0 : index
    %get3A_13 = arith.constant 0 : index
    %get3A_14 = arith.constant 0 : index
    %get3A_15 = vector.load %arg2[%get3A_12, %get3A_13, %get3A_14] : memref<2x2000x128xf32, #tpu.memory_space<vmem>>, vector<1x2000x128xf32>
    %get3A_16 = vector.shape_cast %get3A_15 : vector<1x2000x128xf32> to vector<2000x128xf32>
    %get3A_17 = arith.constant 1 : index
    %get3A_18 = arith.constant 0 : index
    %get3A_19 = arith.constant 0 : index
    %get3A_20 = vector.load %arg2[%get3A_17, %get3A_18, %get3A_19] : memref<2x2000x128xf32, #tpu.memory_space<vmem>>, vector<1x2000x128xf32>
    %get3A_21 = vector.shape_cast %get3A_20 : vector<1x2000x128xf32> to vector<2000x128xf32>
    %add3A_22 = arith.addf %get3A_16, %get3A_21 : vector<2000x128xf32>
    %get3A_23 = arith.constant 0 : index
    %get3A_24 = arith.constant 0 : index
    %get3A_25 = vector.load %arg3[%get3A_23, %get3A_24] : memref<2000x128xf32, #tpu.memory_space<vmem>>, vector<2000x128xf32>
    %add3A_26 = arith.addf %add3A_22, %get3A_25 : vector<2000x128xf32>
    %broadcast_in_dim3A = vector.shape_cast %rsqrt3A : vector<2000xf32> to vector<2000x1xf32>
    %mul3A = vector.broadcast %broadcast_in_dim3A : vector<2000x1xf32> to vector<2000x128xf32>
    %mul3A_27 = arith.mulf %add3A_26, %mul3A : vector<2000x128xf32>
    %get3A_28 = arith.constant 0 : index
    %get3A_29 = arith.constant 0 : index
    %get3A_30 = vector.load %arg4[%get3A_28, %get3A_29] : memref<1x128xf32, #tpu.memory_space<vmem>>, vector<1x128xf32>
    %add3A_31 = vector.broadcast %get3A_30 : vector<1x128xf32> to vector<2000x128xf32>
    %add3A_32 = arith.addf %mul3A_27, %add3A_31 : vector<2000x128xf32>
    %swap3A = arith.constant 0 : index
    %swap3A_33 = arith.constant 0 : index
    %swap3A_34 = vector.load %arg5[%swap3A, %swap3A_33] : memref<2000x128xf32, #tpu.memory_space<vmem>>, vector<2000x128xf32>
    tpu.vector_store %arg5[%swap3A, %swap3A_33], %add3A_32 {strides = array<i32>} : memref<2000x128xf32, #tpu.memory_space<vmem>>, vector<2000x128xf32>,
    return
  }
  func.func @transform_0(%arg0: i32) -> (i32, i32, i32) {
    %c0_i32 = arith.constant 0 : i32
    %c0_i32_0 = arith.constant 0 : i32
    %c0_i32_1 = arith.constant 0 : i32
    return %c0_i32, %arg0, %c0_i32_0 : i32, i32, i32
  }
  func.func @transform_1(%arg0: i32) -> (i32, i32, i32) {
    %c0_i32 = arith.constant 0 : i32
    %c0_i32_0 = arith.constant 0 : i32
    %c0_i32_1 = arith.constant 0 : i32
    return %c0_i32, %arg0, %c0_i32_0 : i32, i32, i32
  }
  func.func @transform_2(%arg0: i32) -> (i32, i32) {
    %c0_i32 = arith.constant 0 : i32
    %c0_i32_0 = arith.constant 0 : i32
    return %arg0, %c0_i32 : i32, i32
  }
  func.func @transform_3(%arg0: i32) -> (i32, i32) {
    %c0_i32 = arith.constant 0 : i32
    %c0_i32_0 = arith.constant 0 : i32
    %c0_i32_1 = arith.constant 0 : i32
    return %c0_i32, %c0_i32_0 : i32, i32
  }
  func.func @transform_4(%arg0: i32) -> (i32, i32) {
    %c0_i32 = arith.constant 0 : i32
    %c0_i32_0 = arith.constant 0 : i32
    return %arg0, %c0_i32 : i32, i32
  }
}

module attributes {stable_mosaic.version = 14 : i64} {
  func.func @_y_body(%arg0: i32, %arg1: memref<2x2000x1xf32, #tpu.memory_space<vmem>>, %arg2: memref<2000x128xf32, #tpu.memory_space<vmem>>, %arg3: memref<128x128xf32, #tpu.memory_space<vmem>>, %arg4: memref<2000x128xf32, #tpu.memory_space<vmem>>) attributes {dimension_semantics = [#tpu.dimension_semantics<arbitrary>], iteration_bounds = array<i64: 5>, scalar_prefetch = 0 : i64, scratch_operands = 0 : i64, tpu.core_type = #tpu.core_type<tc>, window_params = [{transform_indices = @transform_0, window_bounds = array<i64: 2, 2000, 1>}, {transform_indices = @transform_1, window_bounds = array<i64: 2000, 128>}, {pipeline_mode = #tpu.pipeline_mode<synchronous>, transform_indices = @transform_2, window_bounds = array<i64: 128, 128>}, {transform_indices = @transform_3, window_bounds = array<i64: 2000, 128>}]} {
    %get3A = arith.constant 0 : index
    %get3A_0 = arith.constant 0 : index
    %get3A_1 = arith.constant 0 : index
    %get3A_2 = vector.load %arg1[%get3A, %get3A_0, %get3A_1] : memref<2x2000x1xf32, #tpu.memory_space<vmem>>, vector<1x2000x1xf32>
    %get3A_3 = vector.shape_cast %get3A_2 : vector<1x2000x1xf32> to vector<2000xf32>
    %get3A_4 = arith.constant 1 : index
    %get3A_5 = arith.constant 0 : index
    %get3A_6 = arith.constant 0 : index
    %get3A_7 = vector.load %arg1[%get3A_4, %get3A_5, %get3A_6] : memref<2x2000x1xf32, #tpu.memory_space<vmem>>, vector<1x2000x1xf32>
    %get3A_8 = vector.shape_cast %get3A_7 : vector<1x2000x1xf32> to vector<2000xf32>
    %add3A = arith.addf %get3A_3, %get3A_8 : vector<2000xf32>
    %add3A_9 = arith.constant 1.000000e+00 : f32
    %add3A_10 = vector.broadcast %add3A_9 : f32 to vector<2000xf32>
    %add3A_11 = arith.addf %add3A, %add3A_10 : vector<2000xf32>
    %rsqrt3A = math.rsqrt %add3A_11 : vector<2000xf32>
    %get3A_12 = arith.constant 0 : index
    %get3A_13 = arith.constant 0 : index
    %get3A_14 = vector.load %arg2[%get3A_12, %get3A_13] : memref<2000x128xf32, #tpu.memory_space<vmem>>, vector<2000x128xf32>
    %broadcast_in_dim3A = vector.shape_cast %rsqrt3A : vector<2000xf32> to vector<2000x1xf32>
    %mul3A = vector.broadcast %broadcast_in_dim3A : vector<2000x1xf32> to vector<2000x128xf32>
    %mul3A_15 = arith.mulf %get3A_14, %mul3A : vector<2000x128xf32>
    %get3A_16 = arith.constant 0 : index
    %get3A_17 = arith.constant 0 : index
    %get3A_18 = vector.load %arg3[%get3A_16, %get3A_17] : memref<128x128xf32, #tpu.memory_space<vmem>>, vector<128x128xf32>
    %dot_general3A = arith.constant dense<0.000000e+00> : vector<2000x128xf32>
    %dot_general3A_19 = tpu.matmul %mul3A_15, %get3A_18, %dot_general3A {dimension_numbers = #tpu.dot_dimension_numbers<[1], [0], [0], [1], [0, 0, 1, 1], [], []>, transpose_lhs_hint = false} : vector<2000x128xf32>, vector<128x128xf32>, vector<2000x128xf32> -> vector<2000x128xf32>
    %swap3A = arith.constant 0 : index
    %swap3A_20 = arith.constant 0 : index
    %swap3A_21 = vector.load %arg4[%swap3A, %swap3A_20] : memref<2000x128xf32, #tpu.memory_space<vmem>>, vector<2000x128xf32>
    tpu.vector_store %arg4[%swap3A, %swap3A_20], %dot_general3A_19 {strides = array<i32>} : memref<2000x128xf32, #tpu.memory_space<vmem>>, vector<2000x128xf32>,
    return
  }
  func.func @transform_0(%arg0: i32) -> (i32, i32, i32) {
    %c0_i32 = arith.constant 0 : i32
    %c0_i32_0 = arith.constant 0 : i32
    %c0_i32_1 = arith.constant 0 : i32
    return %c0_i32, %arg0, %c0_i32_0 : i32, i32, i32
  }
  func.func @transform_1(%arg0: i32) -> (i32, i32) {
    %c0_i32 = arith.constant 0 : i32
    %c0_i32_0 = arith.constant 0 : i32
    return %arg0, %c0_i32 : i32, i32
  }
  func.func @transform_2(%arg0: i32) -> (i32, i32) {
    %c0_i32 = arith.constant 0 : i32
    %c0_i32_0 = arith.constant 0 : i32
    %c0_i32_1 = arith.constant 0 : i32
    return %c0_i32, %c0_i32_0 : i32, i32
  }
  func.func @transform_3(%arg0: i32) -> (i32, i32) {
    %c0_i32 = arith.constant 0 : i32
    %c0_i32_0 = arith.constant 0 : i32
    return %arg0, %c0_i32 : i32, i32
  }
}

</mosaic_0001>

<sc_bundles>
// kernel: kernel.6.cloned.1.call-start
scs
__scs_entry_jumppad:
0x0: {  	(pc) =	sbr.rel $0x88, $3  }
0x1: {  	(tag) =	ssettag $0x0;
	lr =	simm.s32 $0x1  }
0x2: {  	[smem:$0x3F9D] =	sst lr;
	_ =	strace $0xD0000000  }
0x3: {  	_ = 	snop  }
0x4: {  	_ = 	snop  }
0x5: {  	_ = 	snop  }
0x6: {  	_ = 	snop  }
0x7: {  	_ = 	snop  }
__scs_overlays_trampoline_lowered:
0x8: {  	[smem:$0x3FAC] =	sst s0  }
0x9: {  	[smem:$0x3FAD] =	sst s1  }
0xa: {  	[smem:$0x3FAE] =	sst s2  }
0xb: {  	[smem:$0x3FAF] =	sst s3  }
0xc: {  	[smem:$0x3FB0] =	sst s4  }
0xd: {  	[smem:$0x3FB1] =	sst s5  }
0xe: {  	[smem:$0x3FB2] =	sst s6  }
0xf: {  	[smem:$0x3FB3] =	sst s7  }
0x10: {  	[smem:$0x3FB4] =	sst s8  }
0x11: {  	[smem:$0x3FB5] =	sst s9;
	s0 =	simm.s32 @!p0 $0x0  }
0x12: {  	s1 =	sld [smem:$0x3F9B];
	s0 =	simm.s32 @p0 $0x1  }
0x13: {  	[smem:$0x3FB6] =	sst s0;
	s0 =	simm.s32 @!p1 $0x0  }
0x14: {  	s2 =	sld [smem:$0x3F9A];
	s0 =	simm.s32 @p1 $0x1  }
0x15: {  	[smem:$0x3FB7] =	sst s0;
	s0 =	simm.s32 @!p2 $0x0  }
0x16: {  	s3 =	sld [smem:$0x3FDB];
	s0 =	simm.s32 @p2 $0x1  }
0x17: {  	s4 =	simm.s32 $0x1BF5;
	[smem:$0x3FB9] =	sst s0  }
0x18: {  	s0 =	sld [smem:$0x3F9C];
	_ =	swait.ge [sflag:s4], $0x0  }
0x19: {  	s7 =	sld [smem:$0x3F9D]  }
0x1a: {  	s8 =	sadd.s32 $0xFFFFE003, lr  }
0x1b: {  	s9 =	sadd.s32 $0xFFFFFEF7, lr;
	s5 =	simm.s32 $0xFFFFFFFF;
	p2 =	slt.u32 s8, $0xFFFFF086  }
0x1c: {  	p1 =	slt.u32 s9, $0xF7A;
	s5 =	simm.s32 @!p2 $0x0  }
0x1d: {  	s5 =	simm.s32 @p1 $0x1;
	p0 =	seq.s32 s7, s2  }
0x1e: {  	s7 =	smul.u32 @!p0 $0xF7A, s2;
	p2 =	seq.s32 @!p0 s5, $0x0  }
0x1f: {  	s9 =	smul.u32 $0xF7A, s1;
	s8 =	simm.s32 @!p0 $0x1BF5;
	p2 =	por !p2, p0  }
0x20: {  	[sflag:s8] =	ssyncset.s32 @!p0 $0xFFFFF086;
	s6 =	sadd.s32 @!p0 s3, s7;
	s7 =	simm.s32 @!p0 $0x108  }
0x21: {  	s3 =	sadd.s32 s3, s9;
	s6 =	sadd.s32 @!p0 $0x88, s6;
	s7 =	simm.s32 @p2 $0x1082  }
0x22: {  	[simem:s7], [sflag:s8] =	dma.local @!p0 [hbm:s6], $0xF7A  }
0x23: {  	s9 =	sor.u32 $0xD0000000, s2;
	s6 =	simm.s32 $0x108;
	_ =	swait.ge @!p0 [sflag:s8], $0x0  }
0x24: {  	s3 =	sadd.s32 $0x88, s3;
	s6 =	simm.s32 @!p1 $0x1082;
	[sflag:s4] =	ssyncset.s32 $0xFFFFF086  }
0x25: {  	[simem:s6], [sflag:s4] =	dma.local [hbm:s3], $0xF7A  }
0x26: {  	[smem:$0x3F9D] =	sst s1;
	(tag) =	ssettag s2;
	_ =	strace s9  }
0x27: {  	s1 =	sld [smem:$0x3FAD]  }
0x28: {  	s2 =	sld [smem:$0x3FAE]  }
0x29: {  	s4 =	sld [smem:$0x3FB0]  }
0x2a: {  	p0 =	seq.s32 s5, $0x0;
	s5 =	sld [smem:$0x3FB1]  }
0x2b: {  	s6 =	sld [smem:$0x3FB2]  }
0x2c: {  	s7 =	sld [smem:$0x3FB3]  }
0x2d: {  	s3 =	simm.s32 $0x108;
	s8 =	sld [smem:$0x3FB4]  }
0x2e: {  	s3 =	simm.s32 @!p0 $0x1082;
	s9 =	sld [smem:$0x3FB5]  }
0x2f: {  	lr =	sadd.s32 s0, s3;
	s0 =	sld [smem:$0x3FAC]  }
0x30: {  	s3 =	sld [smem:$0x3FAF]  }
0x31: {  	[smem:$0x3FB8] =	sst s10  }
0x32: {  	s10 =	sld [smem:$0x3FB6];
	_ =	sdelay $0x3  }
0x33: {  	p0 =	seq.s32 s10, $0x1;
	s10 =	sld [smem:$0x3FB8];
	_ =	sdelay $0x3  }
0x34: {  	[smem:$0x3FB8] =	sst s10  }
0x35: {  	s10 =	sld [smem:$0x3FB7];
	_ =	sdelay $0x3  }
0x36: {  	p1 =	seq.s32 s10, $0x1;
	s10 =	sld [smem:$0x3FB8];
	_ =	sdelay $0x3  }
0x37: {  	[smem:$0x3FB8] =	sst s10  }
0x38: {  	s10 =	sld [smem:$0x3FB9]  }
0x39: {  	_ = 	snop;
	(pc) =	sbr.ind lr, $3  }
0x3a: {  	_ = 	snop  }
0x3b: {  	_ = 	snop  }
0x3c: {  	p2 =	seq.s32 s10, $0x1;
	s10 =	sld [smem:$0x3FB8]  }
0x3d: {  	_ =	shalt  }
0x3e: {  	_ =	shalt  }
0x3f: {  	_ =	shalt  }
0x40: {  	_ =	shalt  }
0x41: {  	_ =	shalt  }
0x42: {  	_ =	shalt  }
0x43: {  	_ =	shalt  }
0x44: {  	_ =	shalt  }
0x45: {  	_ =	shalt  }
0x46: {  	_ =	shalt  }
0x47: {  	_ =	shalt  }
0x48: {  	_ =	shalt  }
0x49: {  	_ =	shalt  }
0x4a: {  	_ =	shalt  }
0x4b: {  	_ =	shalt  }
0x4c: {  	_ =	shalt  }
0x4d: {  	_ =	shalt  }
0x4e: {  	_ =	shalt  }
0x4f: {  	_ =	shalt  }
0x50: {  	_ =	shalt  }
0x51: {  	_ =	shalt  }
0x52: {  	_ =	shalt  }
0x53: {  	_ =	shalt  }
0x54: {  	_ =	shalt  }
0x55: {  	_ =	shalt  }
0x56: {  	_ =	shalt  }
0x57: {  	_ =	shalt  }
0x58: {  	_ =	shalt  }
0x59: {  	_ =	shalt  }
0x5a: {  	_ =	shalt  }
0x5b: {  	_ =	shalt  }
0x5c: {  	_ =	shalt  }
0x5d: {  	_ =	shalt  }
0x5e: {  	_ =	shalt  }
0x5f: {  	_ =	shalt  }
0x60: {  	_ =	shalt  }
0x61: {  	_ =	shalt  }
0x62: {  	_ =	shalt  }
0x63: {  	_ =	shalt  }
0x64: {  	_ =	shalt  }
0x65: {  	_ =	shalt  }
0x66: {  	_ =	shalt  }
0x67: {  	_ =	shalt  }
0x68: {  	_ =	shalt  }
0x69: {  	_ =	shalt  }
0x6a: {  	_ =	shalt  }
0x6b: {  	_ =	shalt  }
0x6c: {  	_ =	shalt  }
0x6d: {  	_ =	shalt  }
0x6e: {  	_ =	shalt  }
0x6f: {  	_ =	shalt  }
0x70: {  	_ =	shalt  }
0x71: {  	_ =	shalt  }
0x72: {  	_ =	shalt  }
0x73: {  	_ =	shalt  }
0x74: {  	_ =	shalt  }
0x75: {  	_ =	shalt  }
0x76: {  	_ =	shalt  }
0x77: {  	_ =	shalt  }
0x78: {  	_ =	shalt  }
0x79: {  	_ =	shalt  }
0x7a: {  	_ =	shalt  }
0x7b: {  	_ =	shalt  }
0x7c: {  	_ =	shalt  }
0x7d: {  	_ =	shalt  }
0x7e: {  	_ =	shalt  }
0x7f: {  	_ =	shalt  }
0x80: {  	_ =	shalt  }
0x81: {  	_ =	shalt  }
0x82: {  	_ =	shalt  }
0x83: {  	_ =	shalt  }
0x84: {  	_ =	shalt  }
0x85: {  	_ =	shalt  }
0x86: {  	_ =	shalt  }
0x87: {  	_ =	shalt  }
.Lfunc_end0:
.L_simem_size_0:
called_computation_lowered:
.L_overlay_start_0:
0x88: {  	s2 =	sld [smem:$0x3FD9]  }
0x89: {  	s3 =	sld [smem:$0x3FFE];
	_ =	sdelay $0x1  }
0x8a: {  	s1 =	srdreg.scid  }
0x8b: {  	s0 =	sand.u32 $0x1, s1  }
0x8c: {  	s17 =	sshll.u32 s0, $0xA;
	s2 =	sadd.s32 s3, s2  }
0x8d: {  	s2 =	sadd.s32 s2, s17  }
0x8e: {  	[smem:$0x3FC4] =	sst s2  }
0x8f: {  	_ = 	snop  }
0x90: {  	s2 =	sld [smem:$0x3FC8]  }
0x91: {  	s18 =	sld [smem:$0x3FD0];
	(tm) =	ssettm $0x1  }
0x92: {  	s4 =	sld [smem:$0x3FFB];
	_ =	sdelay $0x3  }
0x93: {  	_ =	strace s4  }
0x94: {  	s4 =	sld [smem:$0x3FFC];
	_ =	sdelay $0x3  }
0x95: {  	_ =	strace s4  }
0x96: {  	s4 =	sld [smem:$0x3FFD];
	_ =	sdelay $0x3  }
0x97: {  	_ =	strace s4  }
0x98: {  	_ =	strace $0x8FFFFFFF  }
0x99: {  	s19 =	sld [smem:$0x3FDB];
	_ =	sdelay $0x1  }
0x9a: {  	s5 =	simm.s32 $_scs_section_size  }
0x9b: {  	s6 =	simm.s32 $_size__tile_overlayer_lowered;
	s7 =	simm.s32 $_tile_overlayer_lowered  }
0x9c: {  	s22 =	simm.s32 $0x1BFF;
	s21 =	sshll.u32 s7, $0x1;
	s4 =	sadd.s32 s5, s19  }
0x9d: {  	s8 =	simm.s32 $0x0;
	s20 =	sshll.u32 s6, $0x1;
	s6 =	sadd.s32 s21, s4  }
0x9e: {  	[timem:s8], [sflag:s22] =	dma.local [hbm:s6], s20  }
0x9f: {  	_ =	swait.ge [sflag:s22], s20  }
0xa0: {  	s5 =	ssub.s32 $0x0, s20;
	[sflag:s22] =	ssyncset.done $0x0  }
0xa1: {  	[sflag:s22] =	ssyncadd.s32 s5;
	_ =	sdelay $0x1  }
0xa2: {  	s23 =	simm.s32 $0x1B8B  }
0xa3: {  	_ =	swait.ge [sflag:s23], $0x1  }
0xa4: {  	[sflag:s23] =	ssyncset.done $0x0  }
0xa5: {  	s25 =	simm.s32 $0x1B8E;
	s24 =	sld [smem:$0x3FFE];
	[sflag:s23] =	ssyncadd.s32 $0xFFFFFFFF  }
0xa6: {  	s26 =	simm.s32 $execute0_lowered;
	[smem:$0x3FD2] =	sst s25  }
0xa7: {  	s6 =	sshll.u32 s26, $0x1;
	_ =	strace $0x80000046;
	[dreg:$0x1] =	wrdreg $0xFFFFFFFF  }
0xa8: {  	s28 =	simm.s32 $_size_execute0_lowered;
	s4 =	sadd.s32 s4, s6;
	[dreg:$0x0] =	wrdreg $0x0  }
0xa9: {  	s6 =	sshll.u32 s28, $0x1;
	[dreg:$0x2] =	wrdreg s4  }
0xaa: {  	[dreg:$0x3] =	wrdreg s6  }
0xab: {  	[dreg:$0x4] =	wrdreg $0xC0  }
0xac: {  	_ =	task [dreg:s8], $0x5FFFF  }
0xad: {  	[dreg:$0x1] =	wrdreg $0xFFFFFFFF  }
0xae: {  	[dreg:$0x0] =	wrdreg $0x60  }
0xaf: {  	[dreg:$0x2] =	wrdreg s2  }
0xb0: {  	[dreg:$0x3] =	wrdreg s24  }
0xb1: {  	[dreg:$0x4] =	wrdreg s18  }
0xb2: {  	[dreg:$0x5] =	wrdreg $0x28800  }
0xb3: {  	[dreg:$0x6] =	wrdreg $0x9  }
0xb4: {  	_ =	task.clear_ibuf [dreg:s8], $0x7FFFF;
	_ =	strace $0x90000046  }
0xb5: {  	s29 =	simm.s32 $0x9;
	_ =	strace $0x80000048  }
0xb6: {  	_ =	swait.ge [sflag:s29], $0x1  }
0xb7: {  	[sflag:s29] =	ssyncadd.s32 $0xFFFFFFFF  }
0xb8: {  	_ =	strace $0x90000048  }
0xb9: {  	_ =	sfence  }
0xba: {  	s30 =	sld [smem:$0x0];
	_ =	sdelay $0x2  }
0xbb: {  	s31 =	sshll.u32 s1, $0xD;
	s1 =	sshrl.u32 s1, $0x2  }
0xbc: {  	s3 =	sand.u32 $0x4000, s31;
	s1 =	sadd.s32 s1, s30  }
0xbd: {  	s0 =	sor.u32 s3, s0;
	s1 =	sshll.u32 s1, $0x11  }
0xbe: {  	s0 =	sor.u32 s1, s0  }
0xbf: {  	s0 =	sadd.s32 $0x8F2B, s0  }
0xc0: {  	[sflag:s0] =	ssyncadd.remote.s32 $0x1  }
0xc1: {  	_ =	sfence.sel $0xFFFF  }
0xc2: {  	[dreg:$0x0] =	wrdreg $0xFFFFFFFF;
	(pc) =	sbr.abs _section_cstart, $3  }
0xc3: {  	[dreg:$0x1] =	wrdreg $0xFFFFFFFF  }
0xc4: {  	_ =	task.clear_ibuf [dreg:s8], $0x2FFFF;
	_ =	strace $0x9FFFFFFF  }
0xc5: {  	(tm) =	ssettm $0x7FFFFFFF  }
tec
execute0_lowered:
.L_overlay_start_1:
0x0: {  	(tag) =	ssettag $0x1  }
0x1: {  	s7 =	rddreg [dreg:$0x0]  }
0x2: {  	s3 =	rddreg [dreg:$0x1]  }
0x3: {  	s5 =	rddreg [dreg:$0x2]  }
0x4: {  	s1 =	rddreg [dreg:$0x3]  }
0x5: {  	s0 =	rddreg [dreg:$0x4];
	s2 =	simm.s32 $0x0  }
0x6: {  	s4 =	srdreg.scid;
	s10 =	stileid.u32;
	s12 =	simm.s32 $0x2  }
0x7: {  	s14 =	simm.s32 $0x0;
	[smem:$0x7FF] =	sst s2;
	s6 =	sand.u32 $0x1, s4  }
0x8: {  	s9 =	sshll.u32 s10, $0x6;
	s3 =	sadd.s32 $0x1800, s3;
	s30 =	smul.u32 $0x1380, s10  }
0x9: {  	p0 =	sne.s32 s10, $0x0;
	p1 =	slt.u32 s10, $0x2;
	p2 =	sgt.u32 s10, $0x1  }
0xa: {  	_ =	strace $0x80000047;
	s4 =	ssub.s32 $0x2, s6;
	s11 =	sshll.u32 s6, $0x5  }
0xb: {  	s29 =	sshll.u32 s6, $0x4;
	s31 =	smul.u32 $0x9C0, s6;
	p3 =	sne.s32 @p1 s10, $0x0  }
0xc: {  	s10 =	simm.s32 $0x80;
	s8 =	sshrl.u32 s4, $0x1;
	s28 =	sor.u32 s11, s9  }
0xd: {  	s5 =	sadd.s32 s5, s29;
	s9 =	simm.s32 $0x1;
	s11 =	simm.s32 $0x2800  }
0xe: {  	p3 =	por p3, !p1;
	s8 =	ssub.s32 s4, s8;
	s4 =	sadd.s32 s28, s7  }
0xf: {  	s7 =	sadd.s32 s30, s7;
	s13 =	sshrl.u32 @!p3 s1, $0x3;
	s4 =	sadd.s32 $0x13810, s4  }
0x10: {  	v0 =	vimm.f32 $1.000000000e+00;
	s6 =	smax.u32 s8, $0x1;
	s7 =	sadd.s32 s31, s7;
	s8 =	sshrl.u32 @!p0 s1, $0x3  }
.LBB2_1:
0x11: {  	s15 =	simm.s32 @!p0 $0x1C03  }
0x12: {  	[spmem:s8], [sflag:s15] =	dma.local @!p0 [hbm:s3], $0x4F0  }
0x13: {  	s15 =	simm.s32 @!p0 $0x3  }
0x14: {  	_ =	swait.ge @!p0 [sflag:s15], $0x4F0  }
0x15: {  	s18 =	sadd.s32 $0x10, s7;
	s16 =	simm.s32 $0x80;
	[sflag:s15] =	ssyncset.done @!p0 $0x0  }
0x16: {  	s17 =	simm.s32 $0x0;
	[sflag:s15] =	ssyncadd.s32 @!p0 $0xFFFFFB10;
	s15 =	simm.s32 $0x30  }
.LBB2_2:
0x17: {  	[tilespmem:s17], [sflag:$0x1] =	stream.linear.gather [hbm4b:s18+s2], $0x80, $0x38;
	[tilespmem:$0x2AF8] =	vst v63  }
0x18: {  	s18 =	smov.u32 s15;
	s17 =	smov.u32 s16;
	p4 =	sne.s32 s15, $0x9B0  }
.Ltmp0:
0x19: {  	s15 =	sadd.s32 $0x20, s15;
	(pc) =	sbr.rel @p4 .LBB2_2-.Ltmp0, $2  }
0x1a: {  	_ =	sdelay $0x2  }
0x1b: {  	s16 =	sadd.s32 $0x80, s16;
	s18 =	sadd.s32 s18, s7  }
0x1c: {  	[tilespmem:s17], [sflag:$0x1] =	stream.linear.gather [hbm4b:s18+s2], $0x80, $0x38;
	[tilespmem:$0x2AF8] =	vst v63  }
0x1d: {  	s15 =	simm.s32 @!p2 $0x0;
	s16 =	simm.s32 @!p2 $0x2700  }
0x1e: {  	[tilespmem:s16], [sflag:$0x1] =	stream.linear.gather @!p2 [hbm4b:s4+s15], $0x80, $0x38;
	[tilespmem:$0x2AF8] =	vst v63  }
0x1f: {  	[tilespmem:$0x2800] =	vst v0  }
0x20: {  	[tilespmem:$0x2810] =	vst v0  }
0x21: {  	[tilespmem:$0x2820] =	vst v0  }
0x22: {  	[tilespmem:$0x2830] =	vst v0  }
0x23: {  	[tilespmem:$0x2840] =	vst v0  }
0x24: {  	[tilespmem:$0x2850] =	vst v0  }
0x25: {  	[tilespmem:$0x2860] =	vst v0  }
0x26: {  	[tilespmem:$0x2870] =	vst v0  }
0x27: {  	_ =	swait.ge [sflag:s9], $0x80  }
0x28: {  	s15 =	simm.s32 $0x4D;
	[sflag:s9] =	ssyncset.done $0x0  }
.LBB2_4:
0x29: {  	p4 =	sne.s32 s15, $0x1;
	s15 =	sadd.s32 $0xFFFFFFFF, s15;
	[sflag:s9] =	ssyncadd.s32 $0xFFFFFF80  }
.Ltmp1:
0x2a: {  	(pc) =	sbr.rel @p4 .LBB2_4-.Ltmp1, $3  }
0x2b: {  	_ =	sdelay $0x1  }
0x2c: {  	_ =	swait.ge [sflag:s9], $0x80  }
0x2d: {  	[sflag:s9] =	ssyncset.done $0x0  }
0x2e: {  	[sflag:s9] =	ssyncadd.s32 $0xFFFFFF80;
	s15 =	simm.s32 @!p2 $0x1  }
0x2f: {  	_ =	swait.ge @!p2 [sflag:s15], $0x80  }
0x30: {  	[sflag:s15] =	ssyncset.done @!p2 $0x0  }
0x31: {  	[sflag:s15] =	ssyncadd.s32 @!p2 $0xFFFFFF80  }
0x32: {  	s16 =	simm.s32 $0x0;
	s15 =	simm.s32 $0x200;
	[bflag:$0x0] =	sbarrier.arrive $0xFFFF  }
.LBB2_6:
0x33: {  	[spmem:s1] =	stream.indirect.scatter.add.f32 [tilespmem:s11], [sflag:$0x2], $0x1, s16, s10, $0xb8;
	[tilespmem:$0x2AF8] =	vst v63  }
0x34: {  	s16 =	smov.u32 s15;
	p4 =	sne.s32 s15, $0x9A00  }
.Ltmp2:
0x35: {  	s15 =	sadd.s32 $0x200, s15;
	(pc) =	sbr.rel @p4 .LBB2_6-.Ltmp2, $2  }
0x36: {  	_ =	sdelay $0x2  }
0x37: {  	s16 =	sshra.s32 s16, $0x2  }
0x38: {  	[spmem:s1] =	stream.indirect.scatter.add.f32 [tilespmem:s11], [sflag:$0x2], $0x1, s16, s10, $0xb8;
	[tilespmem:$0x2AF8] =	vst v63  }
0x39: {  	s15 =	simm.s32 @!p2 $0x80;
	s16 =	simm.s32 @!p2 $0x2700;
	s17 =	simm.s32 @!p2 $0x2800  }
0x3a: {  	[spmem:s1] =	stream.indirect.scatter.add.f32 @!p2 [tilespmem:s17], [sflag:$0x2], $0x1, s16, s15, $0xb8;
	[tilespmem:$0x2AF8] =	vst v63  }
0x3b: {  	_ =	swait.ge [sflag:s12], $0x80  }
0x3c: {  	s15 =	simm.s32 $0x4D;
	[sflag:s12] =	ssyncset.done $0x0  }
.LBB2_8:
0x3d: {  	p4 =	sne.s32 s15, $0x1;
	s15 =	sadd.s32 $0xFFFFFFFF, s15;
	[sflag:s12] =	ssyncadd.s32 $0xFFFFFF80  }
.Ltmp3:
0x3e: {  	(pc) =	sbr.rel @p4 .LBB2_8-.Ltmp3, $3  }
0x3f: {  	_ =	sdelay $0x1  }
0x40: {  	_ =	swait.ge [sflag:s12], $0x80  }
0x41: {  	[sflag:s12] =	ssyncset.done $0x0  }
0x42: {  	[sflag:s12] =	ssyncadd.s32 $0xFFFFFF80;
	s15 =	simm.s32 @p1 $0x2  }
0x43: {  	_ =	swait.ge @p1 [sflag:s15], $0x80  }
0x44: {  	s16 =	simm.s32 @!p3 $0x20;
	[sflag:s15] =	ssyncset.done @p1 $0x0  }
0x45: {  	s17 =	simm.s32 @!p3 $0x10;
	s18 =	simm.s32 @!p3 $0x1C03;
	[sflag:s15] =	ssyncadd.s32 @p1 $0xFFFFFF80  }
0x46: {  	s14 =	sadd.s32 $0x1, s14;
	s15 =	simm.s32 @!p3 $0x1;
	[bflag:$0x0] =	sbarrier.arrive @p1 $0xFFFF  }
0x47: {  	[hbm:s5@s16], [sflag:s18] =	dma.strided @!p3 [spmem:s13@s17], $0x4F0, s15, $0x10   }
0x48: {  	p4 =	sne.s32 s14, s6;
	s15 =	simm.s32 @!p3 $0x3  }
.Ltmp4:
0x49: {  	_ =	swait.ge @!p3 [sflag:s15], $0x4F0;
	(pc) =	sbr.rel @p4 .LBB2_1-.Ltmp4, $3  }
0x4a: {  	[sflag:s15] =	ssyncset.done @!p3 $0x0  }
0x4b: {  	[sflag:s15] =	ssyncadd.s32 @!p3 $0xFFFFFB10  }
0x4c: {  	[bflag:$0x0] =	sbarrier.arrive @!p1 $0xFFFF;
	_ =	sdelay $0x1  }
0x4d: {  	_ =	sfence.sel $0x180000  }
0x4e: {  	[bflag:$0x0] =	sbarrier.arrive $0xFFFF  }
0x4f: {  	_ =	strace $0x90000047  }
0x50: {  	s0 =	sadd.s32 @!p0 $0x100000, s0;
	[bflag:$0x2] =	sbarrier.arrive $0xFFFF  }
0x51: {  	[sflag:s0] =	ssyncadd.tile.s32 @!p0 $0x1;
	_ =	shalt  }
.Lfunc_end2:
_tile_overlayer_lowered:
.L_overlay_start_2:
0x52: {  	(tag) =	ssettag $0x2  }
0x53: {  	s0 =	rddreg [dreg:$0x0];
	s2 =	stileid.u32  }
0x54: {  	s1 =	rddreg [dreg:$0x1];
	p0 =	sne.s32 s2, $0x0  }
0x55: {  	s3 =	rddreg [dreg:$0x2];
	[bflag:$0x3] =	sbarrier.arrive $0xFFFF;
	s2 =	simm.s32 @!p0 $0x1C03  }
0x56: {  	[timem:s3], [sflag:s2] =	dma.local @!p0 [hbm:s0], s1  }
0x57: {  	s0 =	simm.s32 @!p0 $0x3  }
0x58: {  	_ =	swait.ge @!p0 [sflag:s0], s1  }
0x59: {  	s1 =	ssub.s32 @!p0 $0x0, s1;
	[sflag:s0] =	ssyncset.done @!p0 $0x0  }
0x5a: {  	[sflag:s0] =	ssyncadd.s32 @!p0 s1  }
0x5b: {  	[bflag:$0x3] =	sbarrier.arrive $0xFFFF  }
0x5c: {  	_ =	shalt  }

// kernel: kernel.9.cloned.1.call-start
scs
__scs_entry_jumppad:
0x0: {  	(pc) =	sbr.rel $0x88, $3  }
0x1: {  	(tag) =	ssettag $0x0;
	lr =	simm.s32 $0x1  }
0x2: {  	[smem:$0x3F9D] =	sst lr;
	_ =	strace $0xD0000000  }
0x3: {  	_ = 	snop  }
0x4: {  	_ = 	snop  }
0x5: {  	_ = 	snop  }
0x6: {  	_ = 	snop  }
0x7: {  	_ = 	snop  }
__scs_overlays_trampoline_lowered:
0x8: {  	[smem:$0x3FAC] =	sst s0  }
0x9: {  	[smem:$0x3FAD] =	sst s1  }
0xa: {  	[smem:$0x3FAE] =	sst s2  }
0xb: {  	[smem:$0x3FAF] =	sst s3  }
0xc: {  	[smem:$0x3FB0] =	sst s4  }
0xd: {  	[smem:$0x3FB1] =	sst s5  }
0xe: {  	[smem:$0x3FB2] =	sst s6  }
0xf: {  	[smem:$0x3FB3] =	sst s7  }
0x10: {  	[smem:$0x3FB4] =	sst s8  }
0x11: {  	[smem:$0x3FB5] =	sst s9;
	s0 =	simm.s32 @!p0 $0x0  }
0x12: {  	s1 =	sld [smem:$0x3F9B];
	s0 =	simm.s32 @p0 $0x1  }
0x13: {  	[smem:$0x3FB6] =	sst s0;
	s0 =	simm.s32 @!p1 $0x0  }
0x14: {  	s2 =	sld [smem:$0x3F9A];
	s0 =	simm.s32 @p1 $0x1  }
0x15: {  	[smem:$0x3FB7] =	sst s0;
	s0 =	simm.s32 @!p2 $0x0  }
0x16: {  	s3 =	sld [smem:$0x3FDB];
	s0 =	simm.s32 @p2 $0x1  }
0x17: {  	s4 =	simm.s32 $0x1BF5;
	[smem:$0x3FB9] =	sst s0  }
0x18: {  	s0 =	sld [smem:$0x3F9C];
	_ =	swait.ge [sflag:s4], $0x0  }
0x19: {  	s7 =	sld [smem:$0x3F9D]  }
0x1a: {  	s8 =	sadd.s32 $0xFFFFE003, lr  }
0x1b: {  	s9 =	sadd.s32 $0xFFFFFEF7, lr;
	s5 =	simm.s32 $0xFFFFFFFF;
	p2 =	slt.u32 s8, $0xFFFFF086  }
0x1c: {  	p1 =	slt.u32 s9, $0xF7A;
	s5 =	simm.s32 @!p2 $0x0  }
0x1d: {  	s5 =	simm.s32 @p1 $0x1;
	p0 =	seq.s32 s7, s2  }
0x1e: {  	s7 =	smul.u32 @!p0 $0xF7A, s2;
	p2 =	seq.s32 @!p0 s5, $0x0  }
0x1f: {  	s9 =	smul.u32 $0xF7A, s1;
	s8 =	simm.s32 @!p0 $0x1BF5;
	p2 =	por !p2, p0  }
0x20: {  	[sflag:s8] =	ssyncset.s32 @!p0 $0xFFFFF086;
	s6 =	sadd.s32 @!p0 s3, s7;
	s7 =	simm.s32 @!p0 $0x108  }
0x21: {  	s3 =	sadd.s32 s3, s9;
	s6 =	sadd.s32 @!p0 $0x88, s6;
	s7 =	simm.s32 @p2 $0x1082  }
0x22: {  	[simem:s7], [sflag:s8] =	dma.local @!p0 [hbm:s6], $0xF7A  }
0x23: {  	s9 =	sor.u32 $0xD0000000, s2;
	s6 =	simm.s32 $0x108;
	_ =	swait.ge @!p0 [sflag:s8], $0x0  }
0x24: {  	s3 =	sadd.s32 $0x88, s3;
	s6 =	simm.s32 @!p1 $0x1082;
	[sflag:s4] =	ssyncset.s32 $0xFFFFF086  }
0x25: {  	[simem:s6], [sflag:s4] =	dma.local [hbm:s3], $0xF7A  }
0x26: {  	[smem:$0x3F9D] =	sst s1;
	(tag) =	ssettag s2;
	_ =	strace s9  }
0x27: {  	s1 =	sld [smem:$0x3FAD]  }
0x28: {  	s2 =	sld [smem:$0x3FAE]  }
0x29: {  	s4 =	sld [smem:$0x3FB0]  }
0x2a: {  	p0 =	seq.s32 s5, $0x0;
	s5 =	sld [smem:$0x3FB1]  }
0x2b: {  	s6 =	sld [smem:$0x3FB2]  }
0x2c: {  	s7 =	sld [smem:$0x3FB3]  }
0x2d: {  	s3 =	simm.s32 $0x108;
	s8 =	sld [smem:$0x3FB4]  }
0x2e: {  	s3 =	simm.s32 @!p0 $0x1082;
	s9 =	sld [smem:$0x3FB5]  }
0x2f: {  	lr =	sadd.s32 s0, s3;
	s0 =	sld [smem:$0x3FAC]  }
0x30: {  	s3 =	sld [smem:$0x3FAF]  }
0x31: {  	[smem:$0x3FB8] =	sst s10  }
0x32: {  	s10 =	sld [smem:$0x3FB6];
	_ =	sdelay $0x3  }
0x33: {  	p0 =	seq.s32 s10, $0x1;
	s10 =	sld [smem:$0x3FB8];
	_ =	sdelay $0x3  }
0x34: {  	[smem:$0x3FB8] =	sst s10  }
0x35: {  	s10 =	sld [smem:$0x3FB7];
	_ =	sdelay $0x3  }
0x36: {  	p1 =	seq.s32 s10, $0x1;
	s10 =	sld [smem:$0x3FB8];
	_ =	sdelay $0x3  }
0x37: {  	[smem:$0x3FB8] =	sst s10  }
0x38: {  	s10 =	sld [smem:$0x3FB9]  }
0x39: {  	_ = 	snop;
	(pc) =	sbr.ind lr, $3  }
0x3a: {  	_ = 	snop  }
0x3b: {  	_ = 	snop  }
0x3c: {  	p2 =	seq.s32 s10, $0x1;
	s10 =	sld [smem:$0x3FB8]  }
0x3d: {  	_ =	shalt  }
0x3e: {  	_ =	shalt  }
0x3f: {  	_ =	shalt  }
0x40: {  	_ =	shalt  }
0x41: {  	_ =	shalt  }
0x42: {  	_ =	shalt  }
0x43: {  	_ =	shalt  }
0x44: {  	_ =	shalt  }
0x45: {  	_ =	shalt  }
0x46: {  	_ =	shalt  }
0x47: {  	_ =	shalt  }
0x48: {  	_ =	shalt  }
0x49: {  	_ =	shalt  }
0x4a: {  	_ =	shalt  }
0x4b: {  	_ =	shalt  }
0x4c: {  	_ =	shalt  }
0x4d: {  	_ =	shalt  }
0x4e: {  	_ =	shalt  }
0x4f: {  	_ =	shalt  }
0x50: {  	_ =	shalt  }
0x51: {  	_ =	shalt  }
0x52: {  	_ =	shalt  }
0x53: {  	_ =	shalt  }
0x54: {  	_ =	shalt  }
0x55: {  	_ =	shalt  }
0x56: {  	_ =	shalt  }
0x57: {  	_ =	shalt  }
0x58: {  	_ =	shalt  }
0x59: {  	_ =	shalt  }
0x5a: {  	_ =	shalt  }
0x5b: {  	_ =	shalt  }
0x5c: {  	_ =	shalt  }
0x5d: {  	_ =	shalt  }
0x5e: {  	_ =	shalt  }
0x5f: {  	_ =	shalt  }
0x60: {  	_ =	shalt  }
0x61: {  	_ =	shalt  }
0x62: {  	_ =	shalt  }
0x63: {  	_ =	shalt  }
0x64: {  	_ =	shalt  }
0x65: {  	_ =	shalt  }
0x66: {  	_ =	shalt  }
0x67: {  	_ =	shalt  }
0x68: {  	_ =	shalt  }
0x69: {  	_ =	shalt  }
0x6a: {  	_ =	shalt  }
0x6b: {  	_ =	shalt  }
0x6c: {  	_ =	shalt  }
0x6d: {  	_ =	shalt  }
0x6e: {  	_ =	shalt  }
0x6f: {  	_ =	shalt  }
0x70: {  	_ =	shalt  }
0x71: {  	_ =	shalt  }
0x72: {  	_ =	shalt  }
0x73: {  	_ =	shalt  }
0x74: {  	_ =	shalt  }
0x75: {  	_ =	shalt  }
0x76: {  	_ =	shalt  }
0x77: {  	_ =	shalt  }
0x78: {  	_ =	shalt  }
0x79: {  	_ =	shalt  }
0x7a: {  	_ =	shalt  }
0x7b: {  	_ =	shalt  }
0x7c: {  	_ =	shalt  }
0x7d: {  	_ =	shalt  }
0x7e: {  	_ =	shalt  }
0x7f: {  	_ =	shalt  }
0x80: {  	_ =	shalt  }
0x81: {  	_ =	shalt  }
0x82: {  	_ =	shalt  }
0x83: {  	_ =	shalt  }
0x84: {  	_ =	shalt  }
0x85: {  	_ =	shalt  }
0x86: {  	_ =	shalt  }
0x87: {  	_ =	shalt  }
.Lfunc_end0:
.L_simem_size_0:
called_computation.1_lowered:
.L_overlay_start_0:
0x88: {  	s2 =	sld [smem:$0x3FD9]  }
0x89: {  	s3 =	sld [smem:$0x3FFE];
	_ =	sdelay $0x1  }
0x8a: {  	s1 =	srdreg.scid  }
0x8b: {  	s0 =	sand.u32 $0x1, s1  }
0x8c: {  	s17 =	sshll.u32 s0, $0xA;
	s2 =	sadd.s32 s3, s2  }
0x8d: {  	s2 =	sadd.s32 s2, s17  }
0x8e: {  	[smem:$0x3FC4] =	sst s2  }
0x8f: {  	_ = 	snop  }
0x90: {  	s2 =	sld [smem:$0x3FC8]  }
0x91: {  	s18 =	sld [smem:$0x3FD0];
	(tm) =	ssettm $0x1  }
0x92: {  	s4 =	sld [smem:$0x3FFB];
	_ =	sdelay $0x3  }
0x93: {  	_ =	strace s4  }
0x94: {  	s4 =	sld [smem:$0x3FFC];
	_ =	sdelay $0x3  }
0x95: {  	_ =	strace s4  }
0x96: {  	s4 =	sld [smem:$0x3FFD];
	_ =	sdelay $0x3  }
0x97: {  	_ =	strace s4  }
0x98: {  	_ =	strace $0x8FFFFFFF  }
0x99: {  	s19 =	sld [smem:$0x3FDB];
	_ =	sdelay $0x1  }
0x9a: {  	s5 =	simm.s32 $_scs_section_size  }
0x9b: {  	s6 =	simm.s32 $_size__tile_overlayer_lowered;
	s7 =	simm.s32 $_tile_overlayer_lowered  }
0x9c: {  	s22 =	simm.s32 $0x1BFF;
	s21 =	sshll.u32 s7, $0x1;
	s4 =	sadd.s32 s5, s19  }
0x9d: {  	s8 =	simm.s32 $0x0;
	s20 =	sshll.u32 s6, $0x1;
	s6 =	sadd.s32 s21, s4  }
0x9e: {  	[timem:s8], [sflag:s22] =	dma.local [hbm:s6], s20  }
0x9f: {  	_ =	swait.ge [sflag:s22], s20  }
0xa0: {  	s5 =	ssub.s32 $0x0, s20;
	[sflag:s22] =	ssyncset.done $0x0  }
0xa1: {  	[sflag:s22] =	ssyncadd.s32 s5;
	_ =	sdelay $0x1  }
0xa2: {  	s23 =	simm.s32 $0x1B8B  }
0xa3: {  	_ =	swait.ge [sflag:s23], $0x1  }
0xa4: {  	[sflag:s23] =	ssyncset.done $0x0  }
0xa5: {  	s25 =	simm.s32 $0x1B8E;
	s24 =	sld [smem:$0x3FFE];
	[sflag:s23] =	ssyncadd.s32 $0xFFFFFFFF  }
0xa6: {  	s26 =	simm.s32 $execute0_lowered;
	[smem:$0x3FD2] =	sst s25  }
0xa7: {  	s6 =	sshll.u32 s26, $0x1;
	_ =	strace $0x80000049;
	[dreg:$0x1] =	wrdreg $0xFFFFFFFF  }
0xa8: {  	s28 =	simm.s32 $_size_execute0_lowered;
	s4 =	sadd.s32 s4, s6;
	[dreg:$0x0] =	wrdreg $0x0  }
0xa9: {  	s6 =	sshll.u32 s28, $0x1;
	[dreg:$0x2] =	wrdreg s4  }
0xaa: {  	[dreg:$0x3] =	wrdreg s6  }
0xab: {  	[dreg:$0x4] =	wrdreg $0xC0  }
0xac: {  	_ =	task [dreg:s8], $0x5FFFF  }
0xad: {  	[dreg:$0x1] =	wrdreg $0xFFFFFFFF  }
0xae: {  	[dreg:$0x0] =	wrdreg $0x60  }
0xaf: {  	[dreg:$0x2] =	wrdreg s2  }
0xb0: {  	[dreg:$0x3] =	wrdreg s18  }
0xb1: {  	[dreg:$0x4] =	wrdreg s24  }
0xb2: {  	[dreg:$0x5] =	wrdreg $0xC3000  }
0xb3: {  	[dreg:$0x6] =	wrdreg $0x9  }
0xb4: {  	_ =	task.clear_ibuf [dreg:s8], $0x7FFFF;
	_ =	strace $0x90000049  }
0xb5: {  	s29 =	simm.s32 $0x9;
	_ =	strace $0x8000004B  }
0xb6: {  	_ =	swait.ge [sflag:s29], $0x1  }
0xb7: {  	[sflag:s29] =	ssyncadd.s32 $0xFFFFFFFF  }
0xb8: {  	_ =	strace $0x9000004B  }
0xb9: {  	_ =	sfence  }
0xba: {  	s30 =	sld [smem:$0x0];
	_ =	sdelay $0x2  }
0xbb: {  	s31 =	sshll.u32 s1, $0xD;
	s1 =	sshrl.u32 s1, $0x2  }
0xbc: {  	s3 =	sand.u32 $0x4000, s31;
	s1 =	sadd.s32 s1, s30  }
0xbd: {  	s0 =	sor.u32 s3, s0;
	s1 =	sshll.u32 s1, $0x11  }
0xbe: {  	s0 =	sor.u32 s1, s0  }
0xbf: {  	s0 =	sadd.s32 $0x8F2B, s0  }
0xc0: {  	[sflag:s0] =	ssyncadd.remote.s32 $0x1  }
0xc1: {  	_ =	sfence.sel $0xFFFF  }
0xc2: {  	[dreg:$0x0] =	wrdreg $0xFFFFFFFF;
	(pc) =	sbr.abs _section_cstart, $3  }
0xc3: {  	[dreg:$0x1] =	wrdreg $0xFFFFFFFF  }
0xc4: {  	_ =	task.clear_ibuf [dreg:s8], $0x2FFFF;
	_ =	strace $0x9FFFFFFF  }
0xc5: {  	(tm) =	ssettm $0x7FFFFFFF  }
tec
execute0_lowered:
.L_overlay_start_1:
0x0: {  	(tag) =	ssettag $0x1  }
0x1: {  	s1 =	rddreg [dreg:$0x0]  }
0x2: {  	s2 =	rddreg [dreg:$0x1]  }
0x3: {  	s0 =	rddreg [dreg:$0x2]  }
0x4: {  	s3 =	srdreg.scid;
	s14 =	stileid.u32  }
0x5: {  	s4 =	rddreg [dreg:$0x3];
	s5 =	simm.s32 $0x0;
	s28 =	simm.s32 $0x80  }
0x6: {  	s29 =	simm.s32 $0x200;
	s30 =	simm.s32 $0x100;
	s31 =	simm.s32 $0x280  }
0x7: {  	s3 =	sand.u32 $0x1, s3;
	s6 =	sshll.u32 s14, $0x1;
	s10 =	smul.u32 $0x4F000, s14  }
0x8: {  	[smem:$0x7FF] =	sst s5;
	s0 =	sadd.s32 $0x1800, s0;
	s25 =	smul.u32 $0x9C00, s14  }
0x9: {  	s13 =	sadd.s32 $0x138400, s4;
	p0 =	seq.s32 s14, $0xF;
	p1 =	sgt.u32 s14, $0x1  }
0xa: {  	s7 =	sor.u32 s3, s6;
	_ =	strace $0x8000004A;
	s22 =	smul.u32 $0x138800, s3  }
0xb: {  	s8 =	ssub.s32 $0x2, s3;
	s3 =	smul.u32 $0x4E00, s3;
	[dreg:$0x11] =	wrdreg s13  }
0xc: {  	s6 =	smul.u32 $0x4E00, s7;
	s9 =	sshrl.u32 s8, $0x1;
	s17 =	sshrl.u32 s10, $0x2  }
0xd: {  	s7 =	sshll.u32 s7, $0x5;
	s8 =	ssub.s32 s8, s9;
	s11 =	sadd.s32 s17, s4  }
0xe: {  	s26 =	sshrl.u32 s22, $0x3;
	s3 =	sadd.s32 s3, s25;
	s7 =	sadd.s32 s7, s1  }
0xf: {  	s6 =	sshrl.u32 s6, $0x3;
	s21 =	sadd.s32 $0x4000, s11;
	s23 =	sadd.s32 $0x8000, s11  }
0x10: {  	s24 =	sadd.s32 $0xC000, s11;
	s12 =	sadd.s32 $0x10000, s11;
	[dreg:$0xd] =	wrdreg s21  }
0x11: {  	s10 =	sadd.s32 $0x580, s3;
	s25 =	sadd.s32 $0x380, s3;
	[dreg:$0xe] =	wrdreg s23  }
0x12: {  	s8 =	smax.u32 s8, $0x1;
	s6 =	sadd.s32 s1, s6;
	[dreg:$0xf] =	wrdreg s24  }
0x13: {  	[dreg:$0x10] =	wrdreg s12;
	s12 =	sadd.s32 s0, s26;
	s10 =	sshrl.u32 s10, $0x3  }
0x14: {  	s23 =	sadd.s32 $0x400, s3;
	[dreg:$0x16] =	wrdreg s8;
	s15 =	sadd.s32 $0x10, s6  }
0x15: {  	s26 =	sshrl.u32 s25, $0x3;
	s16 =	sadd.s32 $0x20, s6;
	[dreg:$0x8] =	wrdreg s15  }
0x16: {  	s25 =	sadd.s32 $0x300, s3;
	s18 =	sadd.s32 $0x30, s6;
	[dreg:$0x9] =	wrdreg s16  }
0x17: {  	s8 =	simm.s32 $0x1;
	s19 =	sadd.s32 $0x40, s6;
	[dreg:$0xa] =	wrdreg s18  }
0x18: {  	s20 =	sadd.s32 $0x50, s6;
	s12 =	sadd.s32 $0x25080, s12;
	[dreg:$0xb] =	wrdreg s19  }
0x19: {  	s17 =	sadd.s32 s10, s1;
	s24 =	sshrl.u32 s23, $0x3;
	[dreg:$0xc] =	wrdreg s20  }
0x1a: {  	s10 =	simm.s32 $0x3;
	s15 =	smul.u32 $0x13C00, s14;
	[dreg:$0x12] =	wrdreg s12  }
0x1b: {  	s16 =	sadd.s32 $0x13800, s7;
	s18 =	sadd.s32 $0x500, s3;
	[dreg:$0x5] =	wrdreg s17  }
0x1c: {  	s20 =	sadd.s32 $0x480, s3;
	s7 =	sadd.s32 $0x13810, s7;
	s23 =	sadd.s32 s24, s1  }
0x1d: {  	s24 =	sadd.s32 s26, s1;
	s26 =	simm.s32 $0x180;
	s3 =	simm.s32 $0x300  }
0x1e: {  	s12 =	simm.s32 $0x0;
	[dreg:$0x13] =	wrdreg s16;
	s19 =	sshrl.u32 s18, $0x3  }
0x1f: {  	[dreg:$0x15] =	wrdreg s7;
	s21 =	sshrl.u32 s20, $0x3;
	s18 =	simm.s32 $0x7  }
.Ltmp0:
0x20: {  	s20 =	simm.s32 $0x6;
	s9 =	sadd.s32 s15, s22;
	(pc) =	sbr.rel .LBB2_1-.Ltmp0, $4  }
0x21: {  	s7 =	simm.s32 $0x8300;
	s22 =	sadd.s32 s21, s1;
	s9 =	sshrl.u32 s9, $0x3  }
0x22: {  	s21 =	simm.s32 $0x4300;
	[dreg:$0x7] =	wrdreg s22;
	s0 =	sadd.s32 s0, s9  }
0x23: {  	s9 =	simm.s32 $0x2;
	[dreg:$0x14] =	wrdreg s0;
	s0 =	sadd.s32 s19, s1  }
0x24: {  	v0 =	vimm.f32 $0.0e+00;
	s19 =	simm.s32 $0x5;
	[dreg:$0x6] =	wrdreg s0;
	s0 =	simm.s32 $0x4  }
.LBB2_9:
0x25: {  	s13 =	sshrl.u32 s11, $0x3;
	s14 =	rddreg [dreg:$0x12];
	s15 =	simm.s32 $0x1FC7  }
0x26: {  	[hbm:s14], [sflag:s15] =	dma.local [spmem:s13], $0x2080  }
0x27: {  	_ =	swait.ge [sflag:s18], $0x2080  }
0x28: {  	[sflag:s18] =	ssyncset.done $0x0  }
0x29: {  	[sflag:s18] =	ssyncadd.s32 $0xFFFFDF80  }
.LBB2_10:
0x2a: {  	s12 =	sadd.s32 $0x1, s12;
	s13 =	rddreg [dreg:$0x16]  }
0x2b: {  	p2 =	sne.s32 s12, s13  }
.Ltmp1:
0x2c: {  	_ = 	snop;
	(pc) =	sbr.rel @!p2 .LBB2_11-.Ltmp1, $1  }
0x2d: {  	_ =	sdelay $0x3  }
.LBB2_1:
0x2e: {  	[tilespmem:s5], [sflag:$0x4] =	stream.linear.gather [hbm4b:s6+s5], $0x80, $0x38;
	[tilespmem:$0x1FB80] =	vst v63  }
0x2f: {  	s13 =	rddreg [dreg:$0x8]  }
0x30: {  	[tilespmem:s26], [sflag:$0x4] =	stream.linear.gather [hbm4b:s13+s5], $0x80, $0x38;
	[tilespmem:$0x1FB80] =	vst v63  }
0x31: {  	s15 =	rddreg [dreg:$0x9]  }
0x32: {  	[tilespmem:s28], [sflag:$0x5] =	stream.linear.gather [hbm4b:s15+s5], $0x80, $0x38;
	[tilespmem:$0x1FB80] =	vst v63  }
0x33: {  	s16 =	rddreg [dreg:$0xa]  }
0x34: {  	[tilespmem:s29], [sflag:$0x5] =	stream.linear.gather [hbm4b:s16+s5], $0x80, $0x38;
	[tilespmem:$0x1FB80] =	vst v63  }
0x35: {  	s17 =	rddreg [dreg:$0xb]  }
0x36: {  	[tilespmem:s30], [sflag:$0x6] =	stream.linear.gather [hbm4b:s17+s5], $0x80, $0x38;
	[tilespmem:$0x1FB80] =	vst v63  }
0x37: {  	s22 =	rddreg [dreg:$0xc];
	s14 =	simm.s32 $0x200;
	s13 =	simm.s32 $0x0  }
0x38: {  	[tilespmem:s31], [sflag:$0x6] =	stream.linear.gather [hbm4b:s22+s5], $0x80, $0x38;
	[tilespmem:$0x1FB80] =	vst v63  }
.LBB2_2:
0x39: {  	p2 =	sne.s32 s14, $0xFE00;
	[tilespmem:s13+$0x370] =	vst v0  }
0x3a: {  	[tilespmem:s13+$0x300] =	vst v0  }
0x3b: {  	[tilespmem:s13+$0x310] =	vst v0  }
.Ltmp2:
0x3c: {  	[tilespmem:s13+$0x320] =	vst v0;
	(pc) =	sbr.rel @p2 .LBB2_2-.Ltmp2, $4  }
0x3d: {  	[tilespmem:s13+$0x330] =	vst v0  }
0x3e: {  	[tilespmem:s13+$0x340] =	vst v0  }
0x3f: {  	[tilespmem:s13+$0x350] =	vst v0  }
0x40: {  	[tilespmem:s13+$0x360] =	vst v0;
	s13 =	sshra.s32 s14, $0x2;
	s14 =	sadd.s32 $0x200, s14  }
0x41: {  	[tilespmem:s13+$0x370] =	vst v0  }
0x42: {  	[tilespmem:s13+$0x300] =	vst v0  }
0x43: {  	[tilespmem:s13+$0x310] =	vst v0  }
0x44: {  	[tilespmem:s13+$0x320] =	vst v0  }
0x45: {  	[tilespmem:s13+$0x330] =	vst v0  }
0x46: {  	[tilespmem:s13+$0x340] =	vst v0  }
0x47: {  	[tilespmem:s13+$0x350] =	vst v0  }
0x48: {  	[tilespmem:s13+$0x360] =	vst v0  }
0x49: {  	[spmem:s11] =	stream.linear.scatter [tilespmem:s3], [sflag:$0x7], $0x4000, $0x38;
	[tilespmem:$0x1FB80] =	vst v63  }
0x4a: {  	_ =	swait.ge [sflag:s18], $0x4000  }
0x4b: {  	[sflag:s18] =	ssyncset.done $0x0  }
0x4c: {  	s17 =	rddreg [dreg:$0xd];
	[sflag:s18] =	ssyncadd.s32 $0xFFFFC000  }
0x4d: {  	[spmem:s17] =	stream.linear.scatter [tilespmem:s3], [sflag:$0x7], $0x4000, $0x38;
	[tilespmem:$0x1FB80] =	vst v63  }
0x4e: {  	_ =	swait.ge [sflag:s18], $0x4000  }
0x4f: {  	[sflag:s18] =	ssyncset.done $0x0  }
0x50: {  	s22 =	rddreg [dreg:$0xe];
	[sflag:s18] =	ssyncadd.s32 $0xFFFFC000  }
0x51: {  	[spmem:s22] =	stream.linear.scatter [tilespmem:s3], [sflag:$0x7], $0x4000, $0x38;
	[tilespmem:$0x1FB80] =	vst v63  }
0x52: {  	_ =	swait.ge [sflag:s18], $0x4000  }
0x53: {  	[sflag:s18] =	ssyncset.done $0x0  }
0x54: {  	s14 =	rddreg [dreg:$0xf];
	[sflag:s18] =	ssyncadd.s32 $0xFFFFC000  }
0x55: {  	[spmem:s14] =	stream.linear.scatter [tilespmem:s3], [sflag:$0x7], $0x4000, $0x38;
	[tilespmem:$0x1FB80] =	vst v63  }
0x56: {  	_ =	swait.ge [sflag:s18], $0x4000  }
0x57: {  	[sflag:s18] =	ssyncset.done $0x0  }
0x58: {  	s13 =	simm.s32 @p0 $0x300;
	s14 =	rddreg [dreg:$0x11];
	[sflag:s18] =	ssyncadd.s32 $0xFFFFC000  }
0x59: {  	[spmem:s14] =	stream.linear.scatter @p0 [tilespmem:s13], [sflag:$0x7], $0x400, $0x38;
	[tilespmem:$0x1FB80] =	vst v63  }
0x5a: {  	s13 =	simm.s32 @p0 $0x7  }
0x5b: {  	_ =	swait.ge @p0 [sflag:s13], $0x400  }
0x5c: {  	[sflag:s13] =	ssyncset.done @p0 $0x0  }
0x5d: {  	s14 =	rddreg [dreg:$0x10];
	[sflag:s13] =	ssyncadd.s32 @p0 $0xFFFFFC00;
	s13 =	simm.s32 @!p0 $0x300  }
0x5e: {  	[spmem:s14] =	stream.linear.scatter @!p0 [tilespmem:s13], [sflag:$0x7], $0x3C00, $0x38;
	[tilespmem:$0x1FB80] =	vst v63  }
0x5f: {  	s13 =	simm.s32 @!p0 $0x7  }
0x60: {  	_ =	swait.ge @!p0 [sflag:s13], $0x3C00  }
0x61: {  	[sflag:s13] =	ssyncset.done @!p0 $0x0  }
0x62: {  	[sflag:s13] =	ssyncadd.s32 @!p0 $0xFFFFC400  }
0x63: {  	[bflag:$0x0] =	sbarrier.arrive $0xFFFF  }
0x64: {  	_ =	swait.ge [sflag:s0], $0x80  }
0x65: {  	[sflag:s0] =	ssyncset.done $0x0  }
0x66: {  	[sflag:s0] =	ssyncadd.s32 $0xFFFFFF80  }
0x67: {  	_ =	swait.ge [sflag:s0], $0x80  }
0x68: {  	[sflag:s0] =	ssyncset.done $0x0  }
0x69: {  	s15 =	simm.s32 $0x0;
	[sflag:s0] =	ssyncadd.s32 $0xFFFFFF80  }
0x6a: {  	[tilespmem:s3], [sflag:$0x1] =	stream.indirect.gather [hbm4b:s2+s28], $0x80, s15, s28, $0xb8;
	[tilespmem:$0x1FB80] =	vst v63  }
0x6b: {  	_ =	swait.ge [sflag:s19], $0x80  }
0x6c: {  	[sflag:s19] =	ssyncset.done $0x0  }
0x6d: {  	[sflag:s19] =	ssyncadd.s32 $0xFFFFFF80  }
0x6e: {  	_ =	swait.ge [sflag:s19], $0x80  }
0x6f: {  	[sflag:s19] =	ssyncset.done $0x0  }
0x70: {  	[sflag:s19] =	ssyncadd.s32 $0xFFFFFF80  }
0x71: {  	[tilespmem:s21], [sflag:$0x2] =	stream.indirect.gather [hbm4b:s2+s28], $0x80, s28, s28, $0xb8;
	[tilespmem:$0x1FB80] =	vst v63  }
0x72: {  	_ =	swait.ge [sflag:s20], $0x80  }
0x73: {  	[sflag:s20] =	ssyncset.done $0x0  }
0x74: {  	[sflag:s20] =	ssyncadd.s32 $0xFFFFFF80  }
0x75: {  	_ =	swait.ge [sflag:s20], $0x80  }
0x76: {  	[sflag:s20] =	ssyncset.done $0x0  }
0x77: {  	[sflag:s20] =	ssyncadd.s32 $0xFFFFFF80  }
0x78: {  	[tilespmem:s7], [sflag:$0x3] =	stream.indirect.gather [hbm4b:s2+s28], $0x80, s30, s28, $0xb8;
	[tilespmem:$0x1FB80] =	vst v63  }
0x79: {  	_ =	swait.ge [sflag:s8], $0x4000  }
0x7a: {  	[sflag:s8] =	ssyncset.done $0x0  }
0x7b: {  	[sflag:s8] =	ssyncadd.s32 $0xFFFFC000  }
0x7c: {  	[spmem:s4] =	stream.indirect.scatter.add.f32 [tilespmem:s3], [sflag:$0x7], $0x80, s26, s28, $0xb8;
	[tilespmem:$0x1FB80] =	vst v63  }
0x7d: {  	_ =	swait.ge [sflag:s18], $0x4000  }
0x7e: {  	s16 =	sshrl.u32 s25, $0x3;
	[sflag:s18] =	ssyncset.done $0x0  }
0x7f: {  	s13 =	sadd.s32 s1, s16;
	[sflag:s18] =	ssyncadd.s32 $0xFFFFC000  }
0x80: {  	[tilespmem:s5], [sflag:$0x4] =	stream.linear.gather [hbm4b:s13+s5], $0x80, $0x38;
	[tilespmem:$0x1FB80] =	vst v63  }
0x81: {  	s17 =	sadd.s32 $0x0, s24  }
0x82: {  	[tilespmem:s26], [sflag:$0x4] =	stream.linear.gather [hbm4b:s17+s5], $0x80, $0x38;
	[tilespmem:$0x1FB80] =	vst v63  }
0x83: {  	_ =	swait.ge [sflag:s0], $0x80  }
0x84: {  	[sflag:s0] =	ssyncset.done $0x0  }
0x85: {  	[sflag:s0] =	ssyncadd.s32 $0xFFFFFF80  }
0x86: {  	_ =	swait.ge [sflag:s0], $0x80  }
0x87: {  	[sflag:s0] =	ssyncset.done $0x0  }
0x88: {  	[sflag:s0] =	ssyncadd.s32 $0xFFFFFF80  }
0x89: {  	[tilespmem:s3], [sflag:$0x1] =	stream.indirect.gather [hbm4b:s2+s28], $0x80, s5, s28, $0xb8;
	[tilespmem:$0x1FB80] =	vst v63  }
0x8a: {  	_ =	swait.ge [sflag:s9], $0x4000  }
0x8b: {  	[sflag:s9] =	ssyncset.done $0x0  }
0x8c: {  	[sflag:s9] =	ssyncadd.s32 $0xFFFFC000  }
0x8d: {  	[spmem:s4] =	stream.indirect.scatter.add.f32 [tilespmem:s21], [sflag:$0x7], $0x80, s29, s28, $0xb8;
	[tilespmem:$0x1FB80] =	vst v63  }
0x8e: {  	_ =	swait.ge [sflag:s18], $0x4000  }
0x8f: {  	[sflag:s18] =	ssyncset.done $0x0  }
0x90: {  	s15 =	sadd.s32 $0x0, s23;
	s22 =	rddreg [dreg:$0x7];
	[sflag:s18] =	ssyncadd.s32 $0xFFFFC000  }
0x91: {  	[tilespmem:s28], [sflag:$0x5] =	stream.linear.gather [hbm4b:s15+s5], $0x80, $0x38;
	[tilespmem:$0x1FB80] =	vst v63  }
0x92: {  	s13 =	sadd.s32 $0x0, s22  }
0x93: {  	[tilespmem:s29], [sflag:$0x5] =	stream.linear.gather [hbm4b:s13+s5], $0x80, $0x38;
	[tilespmem:$0x1FB80] =	vst v63  }
0x94: {  	_ =	swait.ge [sflag:s19], $0x80  }
0x95: {  	[sflag:s19] =	ssyncset.done $0x0  }
0x96: {  	[sflag:s19] =	ssyncadd.s32 $0xFFFFFF80  }
0x97: {  	_ =	swait.ge [sflag:s19], $0x80  }
0x98: {  	[sflag:s19] =	ssyncset.done $0x0  }
0x99: {  	[sflag:s19] =	ssyncadd.s32 $0xFFFFFF80  }
0x9a: {  	[tilespmem:s21], [sflag:$0x2] =	stream.indirect.gather [hbm4b:s2+s28], $0x80, s28, s28, $0xb8;
	[tilespmem:$0x1FB80] =	vst v63  }
0x9b: {  	_ =	swait.ge [sflag:s10], $0x4000  }
0x9c: {  	[sflag:s10] =	ssyncset.done $0x0  }
0x9d: {  	[sflag:s10] =	ssyncadd.s32 $0xFFFFC000  }
0x9e: {  	[spmem:s4] =	stream.indirect.scatter.add.f32 [tilespmem:s7], [sflag:$0x7], $0x80, s31, s28, $0xb8;
	[tilespmem:$0x1FB80] =	vst v63  }
0x9f: {  	_ =	swait.ge [sflag:s18], $0x4000  }
0xa0: {  	s16 =	rddreg [dreg:$0x6];
	[sflag:s18] =	ssyncset.done $0x0  }
0xa1: {  	s17 =	rddreg [dreg:$0x5];
	[sflag:s18] =	ssyncadd.s32 $0xFFFFC000;
	s13 =	sadd.s32 $0x0, s16  }
0xa2: {  	[tilespmem:s30], [sflag:$0x6] =	stream.linear.gather [hbm4b:s13+s5], $0x80, $0x38;
	[tilespmem:$0x1FB80] =	vst v63  }
0xa3: {  	s22 =	sadd.s32 $0x0, s17  }
0xa4: {  	[tilespmem:s31], [sflag:$0x6] =	stream.linear.gather [hbm4b:s22+s5], $0x80, $0x38;
	[tilespmem:$0x1FB80] =	vst v63  }
0xa5: {  	_ =	swait.ge [sflag:s20], $0x80  }
0xa6: {  	[sflag:s20] =	ssyncset.done $0x0  }
0xa7: {  	[sflag:s20] =	ssyncadd.s32 $0xFFFFFF80  }
0xa8: {  	_ =	swait.ge [sflag:s20], $0x80  }
0xa9: {  	[sflag:s20] =	ssyncset.done $0x0  }
0xaa: {  	[sflag:s20] =	ssyncadd.s32 $0xFFFFFF80  }
0xab: {  	[tilespmem:s7], [sflag:$0x3] =	stream.indirect.gather [hbm4b:s2+s28], $0x80, s30, s28, $0xb8;
	[tilespmem:$0x1FB80] =	vst v63  }
0xac: {  	_ =	swait.ge [sflag:s8], $0x4000  }
0xad: {  	[sflag:s8] =	ssyncset.done $0x0  }
0xae: {  	[sflag:s8] =	ssyncadd.s32 $0xFFFFC000  }
0xaf: {  	[spmem:s4] =	stream.indirect.scatter.add.f32 [tilespmem:s3], [sflag:$0x7], $0x80, s26, s28, $0xb8;
	[tilespmem:$0x1FB80] =	vst v63  }
0xb0: {  	s14 =	sadd.s32 $0x300, s25;
	s15 =	simm.s32 $0xC0;
	_ =	swait.ge [sflag:s18], $0x4000  }
0xb1: {  	s16 =	sshrl.u32 s14, $0x3;
	s13 =	simm.s32 $0x60;
	[sflag:s18] =	ssyncset.done $0x0  }
.LBB2_4:
0xb2: {  	s16 =	sadd.s32 s1, s16;
	[sflag:s18] =	ssyncadd.s32 $0xFFFFC000  }
0xb3: {  	[tilespmem:s5], [sflag:$0x4] =	stream.linear.gather [hbm4b:s16+s5], $0x80, $0x38;
	[tilespmem:$0x1FB80] =	vst v63  }
0xb4: {  	s17 =	sadd.s32 s13, s24  }
0xb5: {  	[tilespmem:s26], [sflag:$0x4] =	stream.linear.gather [hbm4b:s17+s5], $0x80, $0x38;
	[tilespmem:$0x1FB80] =	vst v63  }
0xb6: {  	_ =	swait.ge [sflag:s0], $0x80  }
0xb7: {  	[sflag:s0] =	ssyncset.done $0x0  }
0xb8: {  	[sflag:s0] =	ssyncadd.s32 $0xFFFFFF80  }
0xb9: {  	_ =	swait.ge [sflag:s0], $0x80  }
0xba: {  	[sflag:s0] =	ssyncset.done $0x0  }
0xbb: {  	[sflag:s0] =	ssyncadd.s32 $0xFFFFFF80  }
0xbc: {  	[tilespmem:s3], [sflag:$0x1] =	stream.indirect.gather [hbm4b:s2+s28], $0x80, s5, s28, $0xb8;
	[tilespmem:$0x1FB80] =	vst v63  }
0xbd: {  	_ =	swait.ge [sflag:s9], $0x4000  }
0xbe: {  	[sflag:s9] =	ssyncset.done $0x0  }
0xbf: {  	[sflag:s9] =	ssyncadd.s32 $0xFFFFC000  }
0xc0: {  	[spmem:s4] =	stream.indirect.scatter.add.f32 [tilespmem:s21], [sflag:$0x7], $0x80, s29, s28, $0xb8;
	[tilespmem:$0x1FB80] =	vst v63  }
0xc1: {  	_ =	swait.ge [sflag:s18], $0x4000  }
0xc2: {  	[sflag:s18] =	ssyncset.done $0x0  }
0xc3: {  	s22 =	sadd.s32 s13, s23;
	s17 =	rddreg [dreg:$0x7];
	[sflag:s18] =	ssyncadd.s32 $0xFFFFC000  }
0xc4: {  	[tilespmem:s28], [sflag:$0x5] =	stream.linear.gather [hbm4b:s22+s5], $0x80, $0x38;
	[tilespmem:$0x1FB80] =	vst v63  }
0xc5: {  	s17 =	sadd.s32 s13, s17  }
0xc6: {  	[tilespmem:s29], [sflag:$0x5] =	stream.linear.gather [hbm4b:s17+s5], $0x80, $0x38;
	[tilespmem:$0x1FB80] =	vst v63  }
0xc7: {  	_ =	swait.ge [sflag:s19], $0x80  }
0xc8: {  	[sflag:s19] =	ssyncset.done $0x0  }
0xc9: {  	[sflag:s19] =	ssyncadd.s32 $0xFFFFFF80  }
0xca: {  	_ =	swait.ge [sflag:s19], $0x80  }
0xcb: {  	[sflag:s19] =	ssyncset.done $0x0  }
0xcc: {  	[sflag:s19] =	ssyncadd.s32 $0xFFFFFF80  }
0xcd: {  	[tilespmem:s21], [sflag:$0x2] =	stream.indirect.gather [hbm4b:s2+s28], $0x80, s28, s28, $0xb8;
	[tilespmem:$0x1FB80] =	vst v63  }
0xce: {  	_ =	swait.ge [sflag:s10], $0x4000  }
0xcf: {  	[sflag:s10] =	ssyncset.done $0x0  }
0xd0: {  	[sflag:s10] =	ssyncadd.s32 $0xFFFFC000  }
0xd1: {  	[spmem:s4] =	stream.indirect.scatter.add.f32 [tilespmem:s7], [sflag:$0x7], $0x80, s31, s28, $0xb8;
	[tilespmem:$0x1FB80] =	vst v63  }
0xd2: {  	_ =	swait.ge [sflag:s18], $0x4000  }
0xd3: {  	s17 =	rddreg [dreg:$0x6];
	[sflag:s18] =	ssyncset.done $0x0  }
0xd4: {  	s22 =	rddreg [dreg:$0x5];
	[sflag:s18] =	ssyncadd.s32 $0xFFFFC000;
	s17 =	sadd.s32 s13, s17  }
0xd5: {  	[tilespmem:s30], [sflag:$0x6] =	stream.linear.gather [hbm4b:s17+s5], $0x80, $0x38;
	[tilespmem:$0x1FB80] =	vst v63  }
0xd6: {  	s22 =	sadd.s32 s13, s22  }
0xd7: {  	[tilespmem:s31], [sflag:$0x6] =	stream.linear.gather [hbm4b:s22+s5], $0x80, $0x38;
	[tilespmem:$0x1FB80] =	vst v63  }
0xd8: {  	_ =	swait.ge [sflag:s20], $0x80  }
0xd9: {  	[sflag:s20] =	ssyncset.done $0x0  }
0xda: {  	[sflag:s20] =	ssyncadd.s32 $0xFFFFFF80  }
0xdb: {  	_ =	swait.ge [sflag:s20], $0x80  }
0xdc: {  	[sflag:s20] =	ssyncset.done $0x0  }
0xdd: {  	[sflag:s20] =	ssyncadd.s32 $0xFFFFFF80  }
0xde: {  	[tilespmem:s7], [sflag:$0x3] =	stream.indirect.gather [hbm4b:s2+s28], $0x80, s30, s28, $0xb8;
	[tilespmem:$0x1FB80] =	vst v63  }
0xdf: {  	p2 =	sne.s32 s15, $0x900;
	_ =	swait.ge [sflag:s8], $0x4000  }
.Ltmp3:
0xe0: {  	[sflag:s8] =	ssyncset.done $0x0;
	(pc) =	sbr.rel @p2 .LBB2_4-.Ltmp3, $4  }
0xe1: {  	s14 =	sadd.s32 $0x300, s14;
	[sflag:s8] =	ssyncadd.s32 $0xFFFFC000  }
0xe2: {  	[spmem:s4] =	stream.indirect.scatter.add.f32 [tilespmem:s3], [sflag:$0x7], $0x80, s26, s28, $0xb8;
	[tilespmem:$0x1FB80] =	vst v63  }
0xe3: {  	s16 =	smov.u32 s15;
	s15 =	sadd.s32 $0x60, s15;
	_ =	swait.ge [sflag:s18], $0x4000  }
0xe4: {  	s13 =	smov.u32 s16;
	s16 =	sshrl.u32 s14, $0x3;
	[sflag:s18] =	ssyncset.done $0x0  }
0xe5: {  	s14 =	sadd.s32 s1, s16;
	[sflag:s18] =	ssyncadd.s32 $0xFFFFC000  }
0xe6: {  	[tilespmem:s5], [sflag:$0x4] =	stream.linear.gather [hbm4b:s14+s5], $0x80, $0x38;
	[tilespmem:$0x1FB80] =	vst v63  }
0xe7: {  	s17 =	sadd.s32 s13, s24  }
0xe8: {  	[tilespmem:s26], [sflag:$0x4] =	stream.linear.gather [hbm4b:s17+s5], $0x80, $0x38;
	[tilespmem:$0x1FB80] =	vst v63  }
0xe9: {  	_ =	swait.ge [sflag:s0], $0x80  }
0xea: {  	[sflag:s0] =	ssyncset.done $0x0  }
0xeb: {  	[sflag:s0] =	ssyncadd.s32 $0xFFFFFF80  }
0xec: {  	_ =	swait.ge [sflag:s0], $0x80  }
0xed: {  	[sflag:s0] =	ssyncset.done $0x0  }
0xee: {  	[sflag:s0] =	ssyncadd.s32 $0xFFFFFF80  }
0xef: {  	[tilespmem:s3], [sflag:$0x1] =	stream.indirect.gather [hbm4b:s2+s28], $0x80, s5, s28, $0xb8;
	[tilespmem:$0x1FB80] =	vst v63  }
0xf0: {  	_ =	swait.ge [sflag:s9], $0x4000  }
0xf1: {  	[sflag:s9] =	ssyncset.done $0x0  }
0xf2: {  	[sflag:s9] =	ssyncadd.s32 $0xFFFFC000  }
0xf3: {  	[spmem:s4] =	stream.indirect.scatter.add.f32 [tilespmem:s21], [sflag:$0x7], $0x80, s29, s28, $0xb8;
	[tilespmem:$0x1FB80] =	vst v63  }
0xf4: {  	_ =	swait.ge [sflag:s18], $0x4000  }
0xf5: {  	[sflag:s18] =	ssyncset.done $0x0  }
0xf6: {  	s15 =	sadd.s32 s13, s23;
	s22 =	rddreg [dreg:$0x7];
	[sflag:s18] =	ssyncadd.s32 $0xFFFFC000  }
0xf7: {  	[tilespmem:s28], [sflag:$0x5] =	stream.linear.gather [hbm4b:s15+s5], $0x80, $0x38;
	[tilespmem:$0x1FB80] =	vst v63  }
0xf8: {  	s14 =	sadd.s32 s13, s22  }
0xf9: {  	[tilespmem:s29], [sflag:$0x5] =	stream.linear.gather [hbm4b:s14+s5], $0x80, $0x38;
	[tilespmem:$0x1FB80] =	vst v63  }
0xfa: {  	_ =	swait.ge [sflag:s19], $0x80  }
0xfb: {  	[sflag:s19] =	ssyncset.done $0x0  }
0xfc: {  	[sflag:s19] =	ssyncadd.s32 $0xFFFFFF80  }
0xfd: {  	_ =	swait.ge [sflag:s19], $0x80  }
0xfe: {  	[sflag:s19] =	ssyncset.done $0x0  }
0xff: {  	[sflag:s19] =	ssyncadd.s32 $0xFFFFFF80  }
0x100: {  	[tilespmem:s21], [sflag:$0x2] =	stream.indirect.gather [hbm4b:s2+s28], $0x80, s28, s28, $0xb8;
	[tilespmem:$0x1FB80] =	vst v63  }
0x101: {  	_ =	swait.ge [sflag:s10], $0x4000  }
0x102: {  	[sflag:s10] =	ssyncset.done $0x0  }
0x103: {  	[sflag:s10] =	ssyncadd.s32 $0xFFFFC000  }
0x104: {  	[spmem:s4] =	stream.indirect.scatter.add.f32 [tilespmem:s7], [sflag:$0x7], $0x80, s31, s28, $0xb8;
	[tilespmem:$0x1FB80] =	vst v63  }
0x105: {  	_ =	swait.ge [sflag:s18], $0x4000  }
0x106: {  	s16 =	rddreg [dreg:$0x6];
	[sflag:s18] =	ssyncset.done $0x0  }
0x107: {  	s17 =	rddreg [dreg:$0x5];
	[sflag:s18] =	ssyncadd.s32 $0xFFFFC000;
	s14 =	sadd.s32 s13, s16  }
0x108: {  	[tilespmem:s30], [sflag:$0x6] =	stream.linear.gather [hbm4b:s14+s5], $0x80, $0x38;
	[tilespmem:$0x1FB80] =	vst v63  }
0x109: {  	s22 =	sadd.s32 s13, s17  }
0x10a: {  	[tilespmem:s31], [sflag:$0x6] =	stream.linear.gather [hbm4b:s22+s5], $0x80, $0x38;
	[tilespmem:$0x1FB80] =	vst v63  }
0x10b: {  	_ =	swait.ge [sflag:s20], $0x80  }
0x10c: {  	[sflag:s20] =	ssyncset.done $0x0  }
0x10d: {  	[sflag:s20] =	ssyncadd.s32 $0xFFFFFF80  }
0x10e: {  	_ =	swait.ge [sflag:s20], $0x80  }
0x10f: {  	[sflag:s20] =	ssyncset.done $0x0  }
0x110: {  	[sflag:s20] =	ssyncadd.s32 $0xFFFFFF80  }
0x111: {  	[tilespmem:s7], [sflag:$0x3] =	stream.indirect.gather [hbm4b:s2+s28], $0x80, s30, s28, $0xb8;
	[tilespmem:$0x1FB80] =	vst v63  }
0x112: {  	_ =	swait.ge [sflag:s8], $0x4000  }
0x113: {  	[sflag:s8] =	ssyncset.done $0x0  }
0x114: {  	[sflag:s8] =	ssyncadd.s32 $0xFFFFC000  }
0x115: {  	[spmem:s4] =	stream.indirect.scatter.add.f32 [tilespmem:s3], [sflag:$0x7], $0x80, s26, s28, $0xb8;
	[tilespmem:$0x1FB80] =	vst v63  }
0x116: {  	_ =	swait.ge [sflag:s18], $0x4000  }
0x117: {  	[sflag:s18] =	ssyncset.done $0x0  }
0x118: {  	[sflag:s18] =	ssyncadd.s32 $0xFFFFC000  }
0x119: {  	_ =	swait.ge [sflag:s9], $0x4000  }
0x11a: {  	[sflag:s9] =	ssyncset.done $0x0  }
0x11b: {  	[sflag:s9] =	ssyncadd.s32 $0xFFFFC000  }
0x11c: {  	[spmem:s4] =	stream.indirect.scatter.add.f32 [tilespmem:s21], [sflag:$0x7], $0x80, s29, s28, $0xb8;
	[tilespmem:$0x1FB80] =	vst v63  }
0x11d: {  	_ =	swait.ge [sflag:s18], $0x4000  }
0x11e: {  	[sflag:s18] =	ssyncset.done $0x0  }
0x11f: {  	[sflag:s18] =	ssyncadd.s32 $0xFFFFC000  }
0x120: {  	_ =	swait.ge [sflag:s10], $0x4000  }
0x121: {  	[sflag:s10] =	ssyncset.done $0x0  }
.Ltmp4:
0x122: {  	[sflag:s10] =	ssyncadd.s32 $0xFFFFC000;
	(pc) =	sbr.rel @p1 .LBB2_7-.Ltmp4, $4  }
0x123: {  	[spmem:s4] =	stream.indirect.scatter.add.f32 [tilespmem:s7], [sflag:$0x7], $0x80, s31, s28, $0xb8;
	[tilespmem:$0x1FB80] =	vst v63  }
0x124: {  	_ =	swait.ge [sflag:s18], $0x4000  }
0x125: {  	[sflag:s18] =	ssyncset.done $0x0  }
0x126: {  	[sflag:s18] =	ssyncadd.s32 $0xFFFFC000  }
0x127: {  	s13 =	rddreg [dreg:$0x13]  }
0x128: {  	[tilespmem:s5], [sflag:$0x4] =	stream.linear.gather [hbm4b:s13+s5], $0x80, $0x38;
	[tilespmem:$0x1FB80] =	vst v63  }
0x129: {  	s22 =	rddreg [dreg:$0x15]  }
0x12a: {  	[tilespmem:s26], [sflag:$0x4] =	stream.linear.gather [hbm4b:s22+s5], $0x80, $0x38;
	[tilespmem:$0x1FB80] =	vst v63  }
0x12b: {  	_ =	swait.ge [sflag:s0], $0x80  }
0x12c: {  	[sflag:s0] =	ssyncset.done $0x0  }
0x12d: {  	[sflag:s0] =	ssyncadd.s32 $0xFFFFFF80  }
0x12e: {  	_ =	swait.ge [sflag:s0], $0x80  }
0x12f: {  	[sflag:s0] =	ssyncset.done $0x0  }
0x130: {  	[sflag:s0] =	ssyncadd.s32 $0xFFFFFF80  }
0x131: {  	[tilespmem:s3], [sflag:$0x1] =	stream.indirect.gather [hbm4b:s2+s28], $0x80, s5, s28, $0xb8;
	[tilespmem:$0x1FB80] =	vst v63  }
0x132: {  	_ =	swait.ge [sflag:s8], $0x4000  }
0x133: {  	[sflag:s8] =	ssyncset.done $0x0  }
0x134: {  	[sflag:s8] =	ssyncadd.s32 $0xFFFFC000  }
0x135: {  	[spmem:s4] =	stream.indirect.scatter.add.f32 [tilespmem:s3], [sflag:$0x7], $0x80, s26, s28, $0xb8;
	[tilespmem:$0x1FB80] =	vst v63  }
.Ltmp5:
0x136: {  	_ =	swait.ge [sflag:s18], $0x4000;
	(pc) =	sbr.rel .LBB2_8-.Ltmp5, $3  }
0x137: {  	[sflag:s18] =	ssyncset.done $0x0  }
0x138: {  	[sflag:s18] =	ssyncadd.s32 $0xFFFFC000  }
0x139: {  	[bflag:$0x0] =	sbarrier.arrive $0xFFFF;
	_ =	sdelay $0x1  }
.LBB2_7:
.Ltmp6:
0x13a: {  	(pc) =	sbr.rel @p0 .LBB2_9-.Ltmp6, $2  }
0x13b: {  	_ =	sdelay $0x1  }
0x13c: {  	[bflag:$0x0] =	sbarrier.arrive $0xFFFF;
	_ =	sdelay $0x1  }
.LBB2_8:
0x13d: {  	s13 =	stileid.u32  }
0x13e: {  	s14 =	sshrl.u32 s11, $0x3;
	s13 =	sshll.u32 s13, $0x6  }
.Ltmp7:
0x13f: {  	s15 =	rddreg [dreg:$0x14];
	s13 =	sor.u32 $0x1C07, s13;
	(pc) =	sbr.rel .LBB2_10-.Ltmp7, $4  }
0x140: {  	[hbm:s15], [sflag:s13] =	dma.local [spmem:s14], $0x2780  }
0x141: {  	_ =	swait.ge [sflag:s18], $0x2780  }
0x142: {  	[sflag:s18] =	ssyncset.done $0x0  }
0x143: {  	[sflag:s18] =	ssyncadd.s32 $0xFFFFD880  }
.LBB2_11:
0x144: {  	_ =	sfence.sel $0x180000  }
0x145: {  	[bflag:$0x0] =	sbarrier.arrive $0xFFFF  }
0x146: {  	_ =	strace $0x9000004A  }
0x147: {  	s0 =	stileid.u32;
	[bflag:$0x2] =	sbarrier.arrive $0xFFFF  }
0x148: {  	p0 =	sne.s32 s0, $0x0;
	s0 =	rddreg [dreg:$0x4]  }
0x149: {  	s0 =	sadd.s32 @!p0 $0x100000, s0  }
0x14a: {  	[sflag:s0] =	ssyncadd.tile.s32 @!p0 $0x1;
	_ =	shalt  }
.Lfunc_end2:
_tile_overlayer_lowered:
.L_overlay_start_2:
0x14b: {  	(tag) =	ssettag $0x2  }
0x14c: {  	s0 =	rddreg [dreg:$0x0];
	s2 =	stileid.u32  }
0x14d: {  	s1 =	rddreg [dreg:$0x1];
	p0 =	sne.s32 s2, $0x0  }
0x14e: {  	s3 =	rddreg [dreg:$0x2];
	[bflag:$0x3] =	sbarrier.arrive $0xFFFF;
	s2 =	simm.s32 @!p0 $0x1C07  }
0x14f: {  	[timem:s3], [sflag:s2] =	dma.local @!p0 [hbm:s0], s1  }
0x150: {  	s0 =	simm.s32 @!p0 $0x7  }
0x151: {  	_ =	swait.ge @!p0 [sflag:s0], s1  }
0x152: {  	s1 =	ssub.s32 @!p0 $0x0, s1;
	[sflag:s0] =	ssyncset.done @!p0 $0x0  }
0x153: {  	[sflag:s0] =	ssyncadd.s32 @!p0 s1  }
0x154: {  	[bflag:$0x3] =	sbarrier.arrive $0xFFFF  }
0x155: {  	_ =	shalt  }

</sc_bundles>
